<compile_context>
chip_gen: v7x
topology: tpu7x:2x2x1
jax: 0.10.2.dev20260603
libtpu: 0.0.44.dev20260713+nightly
codegen_flags: <defaults>
</compile_context>

<pallas_src>
import functools

import jax
import jax.numpy as jnp
from jax import lax
from jax.experimental import pallas as pl
from jax.experimental.pallas import tpu as pltpu
from jax.experimental.pallas import tpu_sc as plsc

N_NODES = 50000
N_PAD = 50176
N_EDGES = 800000
D_EMB = 32
HID = 64
PEN = 64
ALPHA = 0.2

NC, NS = 2, 16
NW = NC * NS
BPW = N_PAD // NW
HALF = N_NODES // 2
TBL = 25088
TPT = TBL // NS
DUMMY = 25080
EPT = N_EDGES // NS
EB = 80
NB = EPT // EB

_mesh = plsc.VectorSubcoreMesh(core_axis_name="c", subcore_axis_name="s")


@functools.partial(
    pl.kernel, mesh=_mesh,
    compiler_params=pltpu.CompilerParams(use_tc_tiling_on_sc=False),
    out_type=jax.ShapeDtypeStruct((N_PAD, D_EMB), jnp.float32),
    scratch_types=[
        pltpu.VMEM((BPW,), jnp.int32),
        pltpu.VMEM((BPW, D_EMB), jnp.float32),
        pltpu.SemaphoreType.DMA,
    ],
)
def _sc_gather(table_hbm, idx_hbm, out_hbm, idx_v, rows_v, sem):
    wid = lax.axis_index("s") * NC + lax.axis_index("c")
    base = wid * BPW
    pltpu.sync_copy(idx_hbm.at[pl.ds(base, BPW)], idx_v)
    pltpu.async_copy(table_hbm.at[idx_v], rows_v, sem).wait()
    pltpu.sync_copy(rows_v, out_hbm.at[pl.ds(base, BPW)])


@functools.partial(
    pl.kernel, mesh=_mesh,
    compiler_params=pltpu.CompilerParams(use_tc_tiling_on_sc=False),
    out_type=jax.ShapeDtypeStruct((NC, 2, TBL, 48), jnp.float32),
    scratch_types=[
        pltpu.VMEM((EB,), jnp.int32),
        pltpu.VMEM((EB,), jnp.int32),
        pltpu.VMEM((EB,), jnp.int32),
        pltpu.VMEM((EB, 64), jnp.float32),
        pltpu.VMEM((EB, 16), jnp.float32),
        pltpu.VMEM((EB, 48), jnp.float32),
        pltpu.VMEM_SHARED((TBL, 48), jnp.float32),
        pltpu.SemaphoreType.DMA,
    ],
)
def _sc_edges(t64a_hbm, t64b_hbm, v16_hbm, adj_hbm, zer_hbm, out_hbm,
              sidx, didx, lidx, gsrc, gdst, orow, shared, sem):
    cid = lax.axis_index("c")
    s = lax.axis_index("s")
    lo = cid * HALF

    lanes = lax.iota(jnp.int32, 16)
    mask4 = jnp.where(lanes < 4, jnp.float32(1.0), jnp.float32(0.0))

    for p in range(2):
        t64_hbm = t64a_hbm if p == 0 else t64b_hbm
        pltpu.sync_copy(zer_hbm, shared.at[pl.ds(s * TPT, TPT)])
        plsc.subcore_barrier()

        def block(b, carry):
            off = s * EPT + b * EB
            pltpu.sync_copy(adj_hbm.at[0, pl.ds(off, EB)], sidx)
            pltpu.sync_copy(adj_hbm.at[1, pl.ds(off, EB)], didx)
            pltpu.async_copy(t64_hbm.at[sidx], gsrc, sem).wait()
            pltpu.async_copy(v16_hbm.at[didx], gdst, sem).wait()

            for j in range(EB // 16):
                d16 = didx[pl.ds(j * 16, 16)]
                inr = (d16 >= lo) & (d16 < lo + HALF)
                lidx[pl.ds(j * 16, 16)] = jnp.where(inr, d16 - lo, DUMMY)

            def _g(vec, idxq):
                return lax.gather(
                    vec, idxq[:, None],
                    lax.GatherDimensionNumbers(
                        offset_dims=(), collapsed_slice_dims=(0,),
                        start_index_map=(0,)),
                    (1,), mode=lax.GatherScatterMode.PROMISE_IN_BOUNDS)

            def edge(i, c2):
                us = gsrc[i, pl.ds(0, 16)]
                vd = gdst[i, pl.ds(0, 16)]
                t = us + vd
                ex = jnp.exp(jnp.maximum(t, ALPHA * t))
                ln = lax.iota(jnp.int32, 16)
                idx4 = jnp.where(ln < 4, ln + 4 * p, 0)
                ex4 = _g(ex, idx4)
                orow[i, pl.ds(0, 16)] = ex4 * mask4
                for r in range(2):
                    h0, h1 = 4 * p + 2 * r, 4 * p + 2 * r + 1
                    idxr = jnp.where(ln < 8, h0, h1)
                    exr = _g(ex, idxr)
                    wh = gsrc[i, pl.ds(16 + r * 16, 16)]
                    orow[i, pl.ds(16 + r * 16, 16)] = exr * wh
                return c2

            lax.fori_loop(0, EB, edge, 0)
            pltpu.sync_copy(orow, shared.at[lidx], add=True)
            return carry

        lax.fori_loop(0, NB, block, 0)

        plsc.subcore_barrier()
        pltpu.sync_copy(shared.at[pl.ds(s * TPT, TPT)],
                        out_hbm.at[cid, p, pl.ds(s * TPT, TPT)])


_PR = 512


def _prep_body(h_ref, wf_ref, as_ref, ad_ref, ta_ref, tb_ref, v_ref):
    wh = jnp.dot(h_ref[...], wf_ref[...], preferred_element_type=jnp.float32)
    u = jnp.dot(wh, as_ref[...], preferred_element_type=jnp.float32)
    v = jnp.dot(wh, ad_ref[...], preferred_element_type=jnp.float32)
    z8 = jnp.zeros((_PR, 8), jnp.float32)
    z16 = jnp.zeros((_PR, 16), jnp.float32)
    ta_ref[...] = jnp.concatenate([u, z8, wh[:, 0:32], z16], axis=1)
    tb_ref[...] = jnp.concatenate([u, z8, wh[:, 32:64], z16], axis=1)
    v_ref[...] = jnp.concatenate([v, z8], axis=1)


def _tc_prep(h, w_flat, a_src_m, a_dst_m):
    return pl.pallas_call(
        _prep_body,
        grid=(N_PAD // _PR,),
        in_specs=[
            pl.BlockSpec((_PR, D_EMB), lambda i: (i, 0)),
            pl.BlockSpec((D_EMB, HID), lambda i: (0, 0)),
            pl.BlockSpec((HID, 8), lambda i: (0, 0)),
            pl.BlockSpec((HID, 8), lambda i: (0, 0)),
        ],
        out_specs=[
            pl.BlockSpec((_PR, 64), lambda i: (i, 0)),
            pl.BlockSpec((_PR, 64), lambda i: (i, 0)),
            pl.BlockSpec((_PR, 16), lambda i: (i, 0)),
        ],
        out_shape=[
            jax.ShapeDtypeStruct((N_PAD, 64), jnp.float32),
            jax.ShapeDtypeStruct((N_PAD, 64), jnp.float32),
            jax.ShapeDtypeStruct((N_PAD, 16), jnp.float32),
        ],
    )(h, w_flat, a_src_m, a_dst_m)


_HR = 400
_HG = N_NODES // _HR


def _head_body(den_ref, msg_ref, r8_ref, wp_ref, bp_ref, wo_ref, bo_ref,
               lat_ref, log_ref):
    pid = pl.program_id(0)
    den = den_ref[...] + 1e-16
    denr = jnp.dot(den, r8_ref[...], preferred_element_type=jnp.float32)
    agg = msg_ref[...] / denr
    h1 = jnp.where(agg > 0, agg, jnp.exp(jnp.minimum(agg, 0.0)) - 1.0)
    pen = jnp.dot(h1, wp_ref[...], preferred_element_type=jnp.float32) + bp_ref[...]
    pen = jnp.where(pen > 0, pen, jnp.exp(jnp.minimum(pen, 0.0)) - 1.0)

    @pl.when(pid == 0)
    def _():
        lat_ref[...] = jnp.zeros((1, PEN), jnp.float32)
        log_ref[...] = jnp.zeros((1, 2), jnp.float32)

    lat_ref[...] += jnp.sum(pen, axis=0, keepdims=True)

    @pl.when(pid == _HG - 1)
    def _():
        latent = lat_ref[...] / jnp.float32(N_NODES)
        lat_ref[...] = latent
        log_ref[...] = jnp.dot(latent, wo_ref[...],
                               preferred_element_type=jnp.float32) + bo_ref[...]


def _tc_head(den, msg, r8, w_pen, b_pen, w_out, b_out):
    return pl.pallas_call(
        _head_body,
        grid=(_HG,),
        in_specs=[
            pl.BlockSpec((_HR, 8), lambda i: (i, 0)),
            pl.BlockSpec((_HR, HID), lambda i: (i, 0)),
            pl.BlockSpec((8, HID), lambda i: (0, 0)),
            pl.BlockSpec((HID, PEN), lambda i: (0, 0)),
            pl.BlockSpec((1, PEN), lambda i: (0, 0)),
            pl.BlockSpec((PEN, 2), lambda i: (0, 0)),
            pl.BlockSpec((1, 2), lambda i: (0, 0)),
        ],
        out_specs=[
            pl.BlockSpec((1, PEN), lambda i: (0, 0)),
            pl.BlockSpec((1, 2), lambda i: (0, 0)),
        ],
        out_shape=[
            jax.ShapeDtypeStruct((1, PEN), jnp.float32),
            jax.ShapeDtypeStruct((1, 2), jnp.float32),
        ],
    )(den, msg, r8, w_pen, b_pen, w_out, b_out)


def _forward(feature, adj, emb, W, a_src, a_dst, W_pen, b_pen, W_out, b_out):
    idxp = jnp.concatenate(
        [feature.astype(jnp.int32),
         jnp.zeros((N_PAD - N_NODES,), jnp.int32)])
    w_flat = W.transpose(1, 0, 2).reshape(D_EMB, HID)
    cols = jnp.arange(HID)
    a_src_m = jnp.zeros((HID, 8), jnp.float32).at[cols, cols // 8].set(
        a_src.reshape(HID))
    a_dst_m = jnp.zeros((HID, 8), jnp.float32).at[cols, cols // 8].set(
        a_dst.reshape(HID))
    r8 = jnp.zeros((8, HID), jnp.float32).at[cols // 8, cols].set(1.0)
    zer = jnp.zeros((TPT, 48), jnp.float32)

    h = _sc_gather(emb, idxp)
    t64a, t64b, v16 = _tc_prep(h, w_flat, a_src_m, a_dst_m)
    acc = _sc_edges(t64a, t64b, v16, adj.astype(jnp.int32), zer)
    den = jnp.concatenate(
        [jnp.concatenate([acc[c, 0, :HALF, 0:4], acc[c, 1, :HALF, 0:4]],
                         axis=1) for c in range(NC)], axis=0)
    msg = jnp.concatenate(
        [jnp.concatenate([acc[c, 0, :HALF, 16:48], acc[c, 1, :HALF, 16:48]],
                         axis=1) for c in range(NC)], axis=0)
    lat, log = _tc_head(den, msg, r8, W_pen, b_pen.reshape(1, PEN),
                        W_out, b_out.reshape(1, 2))
    return lat.reshape(PEN), log.reshape(2)


_jit_forward = jax.jit(_forward)


def kernel(feature, adj, emb, W, a_src, a_dst, W_pen, b_pen, W_out, b_out):
    return _jit_forward(feature, adj, emb, W, a_src, a_dst,
                        W_pen, b_pen, W_out, b_out)

# --- scband reference (transcript-rebuilt; emitter-appended) ---
"""Pipeline reference for scband-malware-detector-52037823758914 (READ-ONLY COPY).

The authoritative reference and input builder live on the scoring server;
editing this copy changes nothing except your own understanding.
"""

import jax, jax.numpy as jnp
import numpy as np

N_NODES = 50000
N_EDGES = 800000
VOCAB = 1000000
D_EMB = 32
HIDDEN = 8
N_HEADS = 8
PEN = 64
N_CLASSES = 2
ALPHA = 0.2


def setup_inputs(seed: int = 0) -> dict:
    key = jax.random.key(seed)
    ks = jax.random.split(key, 12)
    feature = jax.random.randint(ks[0], (N_NODES,), 0, VOCAB, dtype=jnp.int64 if jax.config.jax_enable_x64 else jnp.int32)
    adj = jax.random.randint(ks[1], (2, N_EDGES), 0, N_NODES, dtype=jnp.int64 if jax.config.jax_enable_x64 else jnp.int32)
    emb = jax.random.normal(ks[2], (VOCAB, D_EMB), dtype=jnp.float32) * 0.05
    W = jax.random.normal(ks[3], (N_HEADS, D_EMB, HIDDEN), dtype=jnp.float32) * (1.0 / np.sqrt(D_EMB))
    a_src = jax.random.normal(ks[4], (N_HEADS, HIDDEN), dtype=jnp.float32) * 0.1
    a_dst = jax.random.normal(ks[5], (N_HEADS, HIDDEN), dtype=jnp.float32) * 0.1
    W_pen = jax.random.normal(ks[6], (N_HEADS * HIDDEN, PEN), dtype=jnp.float32) * (1.0 / np.sqrt(N_HEADS * HIDDEN))
    b_pen = jnp.zeros((PEN,), dtype=jnp.float32)
    W_out = jax.random.normal(ks[7], (PEN, N_CLASSES), dtype=jnp.float32) * (1.0 / np.sqrt(PEN))
    b_out = jnp.zeros((N_CLASSES,), dtype=jnp.float32)
    return {"feature": feature, "adj": adj, "emb": emb, "W": W, "a_src": a_src,
            "a_dst": a_dst, "W_pen": W_pen, "b_pen": b_pen, "W_out": W_out, "b_out": b_out}


def _malgat_forward(feature, adj, emb, W, a_src, a_dst, W_pen, b_pen, W_out, b_out):
    # Embedding lookup of node tokens (SparseCore gather)
    h = jnp.take(emb, feature, axis=0)                       # [N, D_EMB]
    Wh = jnp.einsum('nd,hdk->nhk', h, W)                     # [N, H, K]
    src = adj[0]
    dst = adj[1]
    # GAT attention logits per edge
    e_src = jnp.sum(Wh * a_src[None, :, :], axis=-1)         # [N, H]
    e_dst = jnp.sum(Wh * a_dst[None, :, :], axis=-1)         # [N, H]
    e = jax.nn.leaky_relu(e_src[src] + e_dst[dst], negative_slope=ALPHA)  # [E, H]
    # Segment softmax over incoming edges of each dst node
    m = jax.ops.segment_max(e, dst, num_segments=N_NODES)    # [N, H]
    m = jnp.where(jnp.isfinite(m), m, 0.0)
    ex = jnp.exp(e - m[dst])                                  # [E, H]
    denom = jax.ops.segment_sum(ex, dst, num_segments=N_NODES)
    att = ex / (denom[dst] + 1e-16)                           # [E, H]
    # Weighted message aggregation (scatter-add)
    msg = att[:, :, None] * Wh[src]                           # [E, H, K]
    agg = jax.ops.segment_sum(msg, dst, num_segments=N_NODES) # [N, H, K]
    h1 = jax.nn.elu(agg).reshape(N_NODES, N_HEADS * HIDDEN)   # [N, 64]
    pen = jax.nn.elu(h1 @ W_pen + b_pen)                      # [N, PEN]
    latent = jnp.mean(pen, axis=0)                            # [PEN] graph readout
    # outer MalwareDetector: dropout is identity in eval mode
    logits = latent @ W_out + b_out                           # [N_CLASSES]
    return latent, logits


def reference(feature, adj, emb, W, a_src, a_dst, W_pen, b_pen, W_out, b_out):
    latent, logits = _malgat_forward(feature, adj, emb, W, a_src, a_dst, W_pen, b_pen, W_out, b_out)
    return latent, logits

if __name__ == "__main__":
    import jax
    _d = setup_inputs()
    print(jax.jit(kernel)(*tuple(_d.values())))

</pallas_src>

<mosaic_0001>
#map = affine_map<(d0, d1) -> (0, 0)>
#map1 = affine_map<(d0, d1) -> (0, 0, 0, 0)>
module attributes {stable_mosaic.version = 14 : i64} {
  func.func @_sc_edges(%arg0: i32, %arg1: i32, %arg2: memref<50176x64xf32, #tpu.memory_space<hbm>>, %arg3: memref<50176x64xf32, #tpu.memory_space<hbm>>, %arg4: memref<50176x16xf32, #tpu.memory_space<hbm>>, %arg5: memref<2x800000xi32, #tpu.memory_space<hbm>>, %arg6: memref<1568x48xf32, #tpu.memory_space<hbm>>, %arg7: memref<2x2x25088x48xf32, #tpu.memory_space<hbm>>, %arg8: memref<80xi32, #tpu.memory_space<vmem>>, %arg9: memref<80xi32, #tpu.memory_space<vmem>>, %arg10: memref<80xi32, #tpu.memory_space<vmem>>, %arg11: memref<80x64xf32, #tpu.memory_space<vmem>>, %arg12: memref<80x16xf32, #tpu.memory_space<vmem>>, %arg13: memref<80x48xf32, #tpu.memory_space<vmem>>, %arg14: memref<25088x48xf32, #tpu.memory_space<vmem_shared>>, %arg15: memref<!tpu.dma_semaphore, #tpu.memory_space<semaphore_mem>>) attributes {dimension_semantics = [#tpu.dimension_semantics<core_parallel>, #tpu.dimension_semantics<subcore_parallel>], iteration_bounds = array<i64: 2, 16>, scalar_prefetch = 0 : i64, scratch_operands = 8 : i64, tpu.core_type = #tpu.core_type<sc_vector_subcore>, window_params = [{transform_indices = #map}, {transform_indices = #map}, {transform_indices = #map}, {transform_indices = #map}, {transform_indices = #map}, {transform_indices = #map1}]} {
    %mul3A = arith.constant 25000 : i32
    %mul3A_0 = arith.muli %arg0, %mul3A : i32
    %iota3A = tpu.iota {dimensions = array<i32: 0>} : vector<16xi32>
    %lt3A = arith.constant 4 : i32
    %lt3A_1 = vector.broadcast %lt3A : i32 to vector<16xi32>
    %lt3A_2 = arith.cmpi slt, %iota3A, %lt3A_1 : vector<16xi32>
    %jit3A = arith.constant 1.000000e+00 : f32
    %jit3A_3 = arith.constant 0.000000e+00 : f32
    %broadcast_in_dim3A = vector.broadcast %jit3A : f32 to vector<16xf32>
    %broadcast_in_dim3A_4 = vector.broadcast %jit3A_3 : f32 to vector<16xf32>
    %select_n3A = arith.select %lt3A_2, %broadcast_in_dim3A, %broadcast_in_dim3A_4 : vector<16xi1>, vector<16xf32>
    %mul3A_5 = arith.constant 1568 : i32
    %mul3A_6 = arith.muli %arg1, %mul3A_5 : i32
    "tpu.region"() ({
      %run_scoped3A_32 = tpu.sem_alloc : memref<!tpu.dma_semaphore, #tpu.memory_space<semaphore_mem>>
      %dma_start3A = arith.constant 0 : i32
      %dma_start3A_33 = tpu.memref_slice %arg14[%mul3A_6, %dma_start3A] : memref<25088x48xf32, #tpu.memory_space<vmem_shared>> -> memref<1568x48xf32, #tpu.memory_space<vmem_shared>>
      tpu.enqueue_dma source(%arg6 : memref<1568x48xf32, #tpu.memory_space<hbm>>) target(%dma_start3A_33 : memref<1568x48xf32, #tpu.memory_space<vmem_shared>>) target_semaphore(%run_scoped3A_32 : memref<!tpu.dma_semaphore, #tpu.memory_space<semaphore_mem>>)
      %dma_wait3A = arith.constant 0 : i32
      %dma_wait3A_34 = tpu.memref_slice %arg14[%mul3A_6, %dma_wait3A] : memref<25088x48xf32, #tpu.memory_space<vmem_shared>> -> memref<1568x48xf32, #tpu.memory_space<vmem_shared>>
      tpu.wait_dma2 semaphore(%run_scoped3A_32 : memref<!tpu.dma_semaphore, #tpu.memory_space<semaphore_mem>>) src(%arg6 : memref<1568x48xf32, #tpu.memory_space<hbm>>) dst(%dma_wait3A_34 : memref<1568x48xf32, #tpu.memory_space<vmem_shared>>)
      tpu.yield
    }) : () -> ()
    %barrier3A = arith.constant 0 : index
    tpu.barrier barrier_id(%barrier3A)
    %scan3A = arith.constant 0 : i32
    %scan3A_7 = arith.constant 0 : i32
    %scan3A_8 = arith.constant 625 : i32
    %scan3A_9 = arith.addi %scan3A_7, %scan3A_8 : i32
    %scan3A_10 = arith.constant 1 : i32
    scf.for %scan3A_32 = %scan3A_7 to %scan3A_9 step %scan3A_10  : i32 {
      %mul3A_33 = arith.constant 50000 : i32
      %mul3A_34 = arith.muli %arg1, %mul3A_33 : i32
      %mul3A_35 = arith.constant 80 : i32
      %mul3A_36 = arith.muli %scan3A_32, %mul3A_35 : i32
      %add3A = arith.addi %mul3A_34, %mul3A_36 : i32
      %run_scoped3A_37 = arith.constant 0 : i32
      "tpu.region"() ({
        %run_scoped3A_145 = tpu.sem_alloc : memref<!tpu.dma_semaphore, #tpu.memory_space<semaphore_mem>>
        %dma_start3A_146 = tpu.memref_slice %arg5[%run_scoped3A_37, %add3A] : memref<2x800000xi32, #tpu.memory_space<hbm>> -> memref<1x80xi32, #tpu.memory_space<hbm>>
        %dma_start3A_147 = tpu.memref_squeeze %dma_start3A_146 : memref<1x80xi32, #tpu.memory_space<hbm>> -> memref<80xi32, #tpu.memory_space<hbm>>
        %dma_start3A_148 = tpu.memref_slice %arg5[%run_scoped3A_37, %add3A] : memref<2x800000xi32, #tpu.memory_space<hbm>> -> memref<1x80xi32, #tpu.memory_space<hbm>>
        %dma_start3A_149 = tpu.memref_squeeze %dma_start3A_148 : memref<1x80xi32, #tpu.memory_space<hbm>> -> memref<80xi32, #tpu.memory_space<hbm>>
        tpu.enqueue_dma source(%dma_start3A_149 : memref<80xi32, #tpu.memory_space<hbm>>) target(%arg8 : memref<80xi32, #tpu.memory_space<vmem>>) target_semaphore(%run_scoped3A_145 : memref<!tpu.dma_semaphore, #tpu.memory_space<semaphore_mem>>)
        %dma_wait3A_150 = tpu.memref_slice %arg5[%run_scoped3A_37, %add3A] : memref<2x800000xi32, #tpu.memory_space<hbm>> -> memref<1x80xi32, #tpu.memory_space<hbm>>
        %dma_wait3A_151 = tpu.memref_squeeze %dma_wait3A_150 : memref<1x80xi32, #tpu.memory_space<hbm>> -> memref<80xi32, #tpu.memory_space<hbm>>
        %dma_wait3A_152 = tpu.memref_slice %arg5[%run_scoped3A_37, %add3A] : memref<2x800000xi32, #tpu.memory_space<hbm>> -> memref<1x80xi32, #tpu.memory_space<hbm>>
        %dma_wait3A_153 = tpu.memref_squeeze %dma_wait3A_152 : memref<1x80xi32, #tpu.memory_space<hbm>> -> memref<80xi32, #tpu.memory_space<hbm>>
        tpu.wait_dma2 semaphore(%run_scoped3A_145 : memref<!tpu.dma_semaphore, #tpu.memory_space<semaphore_mem>>) src(%dma_wait3A_153 : memref<80xi32, #tpu.memory_space<hbm>>) dst(%arg8 : memref<80xi32, #tpu.memory_space<vmem>>)
        tpu.yield
      }) : () -> ()
      %run_scoped3A_38 = arith.constant 1 : i32
      "tpu.region"() ({
        %run_scoped3A_145 = tpu.sem_alloc : memref<!tpu.dma_semaphore, #tpu.memory_space<semaphore_mem>>
        %dma_start3A_146 = tpu.memref_slice %arg5[%run_scoped3A_38, %add3A] : memref<2x800000xi32, #tpu.memory_space<hbm>> -> memref<1x80xi32, #tpu.memory_space<hbm>>
        %dma_start3A_147 = tpu.memref_squeeze %dma_start3A_146 : memref<1x80xi32, #tpu.memory_space<hbm>> -> memref<80xi32, #tpu.memory_space<hbm>>
        %dma_start3A_148 = tpu.memref_slice %arg5[%run_scoped3A_38, %add3A] : memref<2x800000xi32, #tpu.memory_space<hbm>> -> memref<1x80xi32, #tpu.memory_space<hbm>>
        %dma_start3A_149 = tpu.memref_squeeze %dma_start3A_148 : memref<1x80xi32, #tpu.memory_space<hbm>> -> memref<80xi32, #tpu.memory_space<hbm>>
        tpu.enqueue_dma source(%dma_start3A_149 : memref<80xi32, #tpu.memory_space<hbm>>) target(%arg9 : memref<80xi32, #tpu.memory_space<vmem>>) target_semaphore(%run_scoped3A_145 : memref<!tpu.dma_semaphore, #tpu.memory_space<semaphore_mem>>)
        %dma_wait3A_150 = tpu.memref_slice %arg5[%run_scoped3A_38, %add3A] : memref<2x800000xi32, #tpu.memory_space<hbm>> -> memref<1x80xi32, #tpu.memory_space<hbm>>
        %dma_wait3A_151 = tpu.memref_squeeze %dma_wait3A_150 : memref<1x80xi32, #tpu.memory_space<hbm>> -> memref<80xi32, #tpu.memory_space<hbm>>
        %dma_wait3A_152 = tpu.memref_slice %arg5[%run_scoped3A_38, %add3A] : memref<2x800000xi32, #tpu.memory_space<hbm>> -> memref<1x80xi32, #tpu.memory_space<hbm>>
        %dma_wait3A_153 = tpu.memref_squeeze %dma_wait3A_152 : memref<1x80xi32, #tpu.memory_space<hbm>> -> memref<80xi32, #tpu.memory_space<hbm>>
        tpu.wait_dma2 semaphore(%run_scoped3A_145 : memref<!tpu.dma_semaphore, #tpu.memory_space<semaphore_mem>>) src(%dma_wait3A_153 : memref<80xi32, #tpu.memory_space<hbm>>) dst(%arg9 : memref<80xi32, #tpu.memory_space<vmem>>)
        tpu.yield
      }) : () -> ()
      %dma_start3A = arith.constant 0 : i32
      %dma_start3A_39 = arith.constant 0 : i32
      %dma_start3A_40 = tpu.memref_slice %arg2[%dma_start3A, %dma_start3A_39] : memref<50176x64xf32, #tpu.memory_space<hbm>> -> memref<50176x64xf32, #tpu.memory_space<hbm>>
      tpu.enqueue_indirect_dma source(%dma_start3A_40 : memref<50176x64xf32, #tpu.memory_space<hbm>>) target(%arg11 : memref<80x64xf32, #tpu.memory_space<vmem>>) offsets(%arg8 : memref<80xi32, #tpu.memory_space<vmem>>) semaphore(%arg15 : memref<!tpu.dma_semaphore, #tpu.memory_space<semaphore_mem>>)
      %dma_wait3A = arith.constant 0 : i32
      %dma_wait3A_41 = arith.constant 0 : i32
      %dma_wait3A_42 = tpu.memref_slice %arg2[%dma_wait3A, %dma_wait3A_41] : memref<50176x64xf32, #tpu.memory_space<hbm>> -> memref<50176x64xf32, #tpu.memory_space<hbm>>
      tpu.wait_indirect_dma semaphore(%arg15 : memref<!tpu.dma_semaphore, #tpu.memory_space<semaphore_mem>>) src(%dma_wait3A_42 : memref<50176x64xf32, #tpu.memory_space<hbm>>) dst(%arg11 : memref<80x64xf32, #tpu.memory_space<vmem>>)
      %dma_start3A_43 = arith.constant 0 : i32
      %dma_start3A_44 = arith.constant 0 : i32
      %dma_start3A_45 = tpu.memref_slice %arg4[%dma_start3A_43, %dma_start3A_44] : memref<50176x16xf32, #tpu.memory_space<hbm>> -> memref<50176x16xf32, #tpu.memory_space<hbm>>
      tpu.enqueue_indirect_dma source(%dma_start3A_45 : memref<50176x16xf32, #tpu.memory_space<hbm>>) target(%arg12 : memref<80x16xf32, #tpu.memory_space<vmem>>) offsets(%arg9 : memref<80xi32, #tpu.memory_space<vmem>>) semaphore(%arg15 : memref<!tpu.dma_semaphore, #tpu.memory_space<semaphore_mem>>)
      %dma_wait3A_46 = arith.constant 0 : i32
      %dma_wait3A_47 = arith.constant 0 : i32
      %dma_wait3A_48 = tpu.memref_slice %arg4[%dma_wait3A_46, %dma_wait3A_47] : memref<50176x16xf32, #tpu.memory_space<hbm>> -> memref<50176x16xf32, #tpu.memory_space<hbm>>
      tpu.wait_indirect_dma semaphore(%arg15 : memref<!tpu.dma_semaphore, #tpu.memory_space<semaphore_mem>>) src(%dma_wait3A_48 : memref<50176x16xf32, #tpu.memory_space<hbm>>) dst(%arg12 : memref<80x16xf32, #tpu.memory_space<vmem>>)
      %get3A = arith.constant 0 : index
      %get3A_49 = tpu.vector_load %arg9[%get3A] {strides = array<i32>} : memref<80xi32, #tpu.memory_space<vmem>>, vector<16xi32>,
      %get3A_50 = vector.shape_cast %get3A_49 : vector<16xi32> to vector<16xi32>
      %ge3A = vector.broadcast %mul3A_0 : i32 to vector<16xi32>
      %ge3A_51 = arith.cmpi sge, %get3A_50, %ge3A : vector<16xi32>
      %add3A_52 = arith.constant 25000 : i32
      %add3A_53 = arith.addi %mul3A_0, %add3A_52 : i32
      %lt3A_54 = vector.broadcast %add3A_53 : i32 to vector<16xi32>
      %lt3A_55 = arith.cmpi slt, %get3A_50, %lt3A_54 : vector<16xi32>
      %and3A = arith.andi %ge3A_51, %lt3A_55 : vector<16xi1>
      %sub3A = vector.broadcast %mul3A_0 : i32 to vector<16xi32>
      %sub3A_56 = arith.subi %get3A_50, %sub3A : vector<16xi32>
      %jit3A_57 = arith.constant 25080 : i32
      %broadcast_in_dim3A_58 = vector.broadcast %jit3A_57 : i32 to vector<16xi32>
      %select_n3A_59 = arith.select %and3A, %sub3A_56, %broadcast_in_dim3A_58 : vector<16xi1>, vector<16xi32>
      %swap3A = arith.constant 0 : index
      %swap3A_60 = tpu.vector_load %arg10[%swap3A] {strides = array<i32>} : memref<80xi32, #tpu.memory_space<vmem>>, vector<16xi32>,
      %swap3A_61 = vector.shape_cast %swap3A_60 : vector<16xi32> to vector<16xi32>
      %swap3A_62 = vector.shape_cast %select_n3A_59 : vector<16xi32> to vector<16xi32>
      tpu.vector_store %arg10[%swap3A], %swap3A_62 {strides = array<i32>} : memref<80xi32, #tpu.memory_space<vmem>>, vector<16xi32>,
      %get3A_63 = arith.constant 16 : index
      %get3A_64 = tpu.vector_load %arg9[%get3A_63] {strides = array<i32>} : memref<80xi32, #tpu.memory_space<vmem>>, vector<16xi32>,
      %get3A_65 = vector.shape_cast %get3A_64 : vector<16xi32> to vector<16xi32>
      %ge3A_66 = vector.broadcast %mul3A_0 : i32 to vector<16xi32>
      %ge3A_67 = arith.cmpi sge, %get3A_65, %ge3A_66 : vector<16xi32>
      %add3A_68 = arith.constant 25000 : i32
      %add3A_69 = arith.addi %mul3A_0, %add3A_68 : i32
      %lt3A_70 = vector.broadcast %add3A_69 : i32 to vector<16xi32>
      %lt3A_71 = arith.cmpi slt, %get3A_65, %lt3A_70 : vector<16xi32>
      %and3A_72 = arith.andi %ge3A_67, %lt3A_71 : vector<16xi1>
      %sub3A_73 = vector.broadcast %mul3A_0 : i32 to vector<16xi32>
      %sub3A_74 = arith.subi %get3A_65, %sub3A_73 : vector<16xi32>
      %jit3A_75 = arith.constant 25080 : i32
      %broadcast_in_dim3A_76 = vector.broadcast %jit3A_75 : i32 to vector<16xi32>
      %select_n3A_77 = arith.select %and3A_72, %sub3A_74, %broadcast_in_dim3A_76 : vector<16xi1>, vector<16xi32>
      %swap3A_78 = arith.constant 16 : index
      %swap3A_79 = tpu.vector_load %arg10[%swap3A_78] {strides = array<i32>} : memref<80xi32, #tpu.memory_space<vmem>>, vector<16xi32>,
      %swap3A_80 = vector.shape_cast %swap3A_79 : vector<16xi32> to vector<16xi32>
      %swap3A_81 = vector.shape_cast %select_n3A_77 : vector<16xi32> to vector<16xi32>
      tpu.vector_store %arg10[%swap3A_78], %swap3A_81 {strides = array<i32>} : memref<80xi32, #tpu.memory_space<vmem>>, vector<16xi32>,
      %get3A_82 = arith.constant 32 : index
      %get3A_83 = tpu.vector_load %arg9[%get3A_82] {strides = array<i32>} : memref<80xi32, #tpu.memory_space<vmem>>, vector<16xi32>,
      %get3A_84 = vector.shape_cast %get3A_83 : vector<16xi32> to vector<16xi32>
      %ge3A_85 = vector.broadcast %mul3A_0 : i32 to vector<16xi32>
      %ge3A_86 = arith.cmpi sge, %get3A_84, %ge3A_85 : vector<16xi32>
      %add3A_87 = arith.constant 25000 : i32
      %add3A_88 = arith.addi %mul3A_0, %add3A_87 : i32
      %lt3A_89 = vector.broadcast %add3A_88 : i32 to vector<16xi32>
      %lt3A_90 = arith.cmpi slt, %get3A_84, %lt3A_89 : vector<16xi32>
      %and3A_91 = arith.andi %ge3A_86, %lt3A_90 : vector<16xi1>
      %sub3A_92 = vector.broadcast %mul3A_0 : i32 to vector<16xi32>
      %sub3A_93 = arith.subi %get3A_84, %sub3A_92 : vector<16xi32>
      %jit3A_94 = arith.constant 25080 : i32
      %broadcast_in_dim3A_95 = vector.broadcast %jit3A_94 : i32 to vector<16xi32>
      %select_n3A_96 = arith.select %and3A_91, %sub3A_93, %broadcast_in_dim3A_95 : vector<16xi1>, vector<16xi32>
      %swap3A_97 = arith.constant 32 : index
      %swap3A_98 = tpu.vector_load %arg10[%swap3A_97] {strides = array<i32>} : memref<80xi32, #tpu.memory_space<vmem>>, vector<16xi32>,
      %swap3A_99 = vector.shape_cast %swap3A_98 : vector<16xi32> to vector<16xi32>
      %swap3A_100 = vector.shape_cast %select_n3A_96 : vector<16xi32> to vector<16xi32>
      tpu.vector_store %arg10[%swap3A_97], %swap3A_100 {strides = array<i32>} : memref<80xi32, #tpu.memory_space<vmem>>, vector<16xi32>,
      %get3A_101 = arith.constant 48 : index
      %get3A_102 = tpu.vector_load %arg9[%get3A_101] {strides = array<i32>} : memref<80xi32, #tpu.memory_space<vmem>>, vector<16xi32>,
      %get3A_103 = vector.shape_cast %get3A_102 : vector<16xi32> to vector<16xi32>
      %ge3A_104 = vector.broadcast %mul3A_0 : i32 to vector<16xi32>
      %ge3A_105 = arith.cmpi sge, %get3A_103, %ge3A_104 : vector<16xi32>
      %add3A_106 = arith.constant 25000 : i32
      %add3A_107 = arith.addi %mul3A_0, %add3A_106 : i32
      %lt3A_108 = vector.broadcast %add3A_107 : i32 to vector<16xi32>
      %lt3A_109 = arith.cmpi slt, %get3A_103, %lt3A_108 : vector<16xi32>
      %and3A_110 = arith.andi %ge3A_105, %lt3A_109 : vector<16xi1>
      %sub3A_111 = vector.broadcast %mul3A_0 : i32 to vector<16xi32>
      %sub3A_112 = arith.subi %get3A_103, %sub3A_111 : vector<16xi32>
      %jit3A_113 = arith.constant 25080 : i32
      %broadcast_in_dim3A_114 = vector.broadcast %jit3A_113 : i32 to vector<16xi32>
      %select_n3A_115 = arith.select %and3A_110, %sub3A_112, %broadcast_in_dim3A_114 : vector<16xi1>, vector<16xi32>
      %swap3A_116 = arith.constant 48 : index
      %swap3A_117 = tpu.vector_load %arg10[%swap3A_116] {strides = array<i32>} : memref<80xi32, #tpu.memory_space<vmem>>, vector<16xi32>,
      %swap3A_118 = vector.shape_cast %swap3A_117 : vector<16xi32> to vector<16xi32>
      %swap3A_119 = vector.shape_cast %select_n3A_115 : vector<16xi32> to vector<16xi32>
      tpu.vector_store %arg10[%swap3A_116], %swap3A_119 {strides = array<i32>} : memref<80xi32, #tpu.memory_space<vmem>>, vector<16xi32>,
      %get3A_120 = arith.constant 64 : index
      %get3A_121 = tpu.vector_load %arg9[%get3A_120] {strides = array<i32>} : memref<80xi32, #tpu.memory_space<vmem>>, vector<16xi32>,
      %get3A_122 = vector.shape_cast %get3A_121 : vector<16xi32> to vector<16xi32>
      %ge3A_123 = vector.broadcast %mul3A_0 : i32 to vector<16xi32>
      %ge3A_124 = arith.cmpi sge, %get3A_122, %ge3A_123 : vector<16xi32>
      %add3A_125 = arith.constant 25000 : i32
      %add3A_126 = arith.addi %mul3A_0, %add3A_125 : i32
      %lt3A_127 = vector.broadcast %add3A_126 : i32 to vector<16xi32>
      %lt3A_128 = arith.cmpi slt, %get3A_122, %lt3A_127 : vector<16xi32>
      %and3A_129 = arith.andi %ge3A_124, %lt3A_128 : vector<16xi1>
      %sub3A_130 = vector.broadcast %mul3A_0 : i32 to vector<16xi32>
      %sub3A_131 = arith.subi %get3A_122, %sub3A_130 : vector<16xi32>
      %jit3A_132 = arith.constant 25080 : i32
      %broadcast_in_dim3A_133 = vector.broadcast %jit3A_132 : i32 to vector<16xi32>
      %select_n3A_134 = arith.select %and3A_129, %sub3A_131, %broadcast_in_dim3A_133 : vector<16xi1>, vector<16xi32>
      %swap3A_135 = arith.constant 64 : index
      %swap3A_136 = tpu.vector_load %arg10[%swap3A_135] {strides = array<i32>} : memref<80xi32, #tpu.memory_space<vmem>>, vector<16xi32>,
      %swap3A_137 = vector.shape_cast %swap3A_136 : vector<16xi32> to vector<16xi32>
      %swap3A_138 = vector.shape_cast %select_n3A_134 : vector<16xi32> to vector<16xi32>
      tpu.vector_store %arg10[%swap3A_135], %swap3A_138 {strides = array<i32>} : memref<80xi32, #tpu.memory_space<vmem>>, vector<16xi32>,
      %scan3A_139 = arith.constant 0 : i32
      %scan3A_140 = arith.constant 0 : i32
      %scan3A_141 = arith.constant 80 : i32
      %scan3A_142 = arith.addi %scan3A_140, %scan3A_141 : i32
      %scan3A_143 = arith.constant 1 : i32
      scf.for %scan3A_145 = %scan3A_140 to %scan3A_142 step %scan3A_143  : i32 {
        %get3A_146 = arith.index_cast %scan3A_145 : i32 to index
        %get3A_147 = arith.constant 0 : index
        %get3A_148 = tpu.vector_load %arg11[%get3A_146, %get3A_147] {strides = array<i32>} : memref<80x64xf32, #tpu.memory_space<vmem>>, vector<1x16xf32>,
        %get3A_149 = vector.shape_cast %get3A_148 : vector<1x16xf32> to vector<16xf32>
        %get3A_150 = arith.index_cast %scan3A_145 : i32 to index
        %get3A_151 = arith.constant 0 : index
        %get3A_152 = tpu.vector_load %arg12[%get3A_150, %get3A_151] {strides = array<i32>} : memref<80x16xf32, #tpu.memory_space<vmem>>, vector<1x16xf32>,
        %get3A_153 = vector.shape_cast %get3A_152 : vector<1x16xf32> to vector<16xf32>
        %add3A_154 = arith.addf %get3A_149, %get3A_153 : vector<16xf32>
        %mul3A_155 = arith.constant 2.000000e-01 : f32
        %mul3A_156 = vector.broadcast %mul3A_155 : f32 to vector<16xf32>
        %mul3A_157 = arith.mulf %mul3A_156, %add3A_154 : vector<16xf32>
        %max3A = arith.maximumf %add3A_154, %mul3A_157 : vector<16xf32>
        %exp3A = math.exp %max3A : vector<16xf32>
        %iota3A_158 = tpu.iota {dimensions = array<i32: 0>} : vector<16xi32>
        %lt3A_159 = arith.constant 4 : i32
        %lt3A_160 = vector.broadcast %lt3A_159 : i32 to vector<16xi32>
        %lt3A_161 = arith.cmpi slt, %iota3A_158, %lt3A_160 : vector<16xi32>
        %add3A_162 = arith.constant 0 : i32
        %add3A_163 = vector.broadcast %add3A_162 : i32 to vector<16xi32>
        %add3A_164 = arith.addi %iota3A_158, %add3A_163 : vector<16xi32>
        %jit3A_165 = arith.constant 0 : i32
        %broadcast_in_dim3A_166 = vector.broadcast %jit3A_165 : i32 to vector<16xi32>
        %select_n3A_167 = arith.select %lt3A_161, %add3A_164, %broadcast_in_dim3A_166 : vector<16xi1>, vector<16xi32>
        %broadcast_in_dim3A_168 = vector.shape_cast %select_n3A_167 : vector<16xi32> to vector<16x1xi32>
        %gather3A = vector.shape_cast %broadcast_in_dim3A_168 : vector<16x1xi32> to vector<16xi32>
        %gather3A_169 = tpu.dynamic_gather %exp3A[%gather3A] in [0] : vector<16xf32>, vector<16xi32> -> vector<16xf32>
        %mul3A_170 = arith.mulf %gather3A_169, %select_n3A : vector<16xf32>
        %swap3A_171 = arith.index_cast %scan3A_145 : i32 to index
        %swap3A_172 = arith.constant 0 : index
        %swap3A_173 = tpu.vector_load %arg13[%swap3A_171, %swap3A_172] {strides = array<i32>} : memref<80x48xf32, #tpu.memory_space<vmem>>, vector<1x16xf32>,
        %swap3A_174 = vector.shape_cast %swap3A_173 : vector<1x16xf32> to vector<16xf32>
        %swap3A_175 = vector.shape_cast %mul3A_170 : vector<16xf32> to vector<1x16xf32>
        tpu.vector_store %arg13[%swap3A_171, %swap3A_172], %swap3A_175 {strides = array<i32>} : memref<80x48xf32, #tpu.memory_space<vmem>>, vector<1x16xf32>,
        %lt3A_176 = arith.constant 8 : i32
        %lt3A_177 = vector.broadcast %lt3A_176 : i32 to vector<16xi32>
        %lt3A_178 = arith.cmpi slt, %iota3A_158, %lt3A_177 : vector<16xi32>
        %jit3A_179 = arith.constant 0 : i32
        %jit3A_180 = arith.constant 1 : i32
        %broadcast_in_dim3A_181 = vector.broadcast %jit3A_179 : i32 to vector<16xi32>
        %broadcast_in_dim3A_182 = vector.broadcast %jit3A_180 : i32 to vector<16xi32>
        %select_n3A_183 = arith.select %lt3A_178, %broadcast_in_dim3A_181, %broadcast_in_dim3A_182 : vector<16xi1>, vector<16xi32>
        %broadcast_in_dim3A_184 = vector.shape_cast %select_n3A_183 : vector<16xi32> to vector<16x1xi32>
        %gather3A_185 = vector.shape_cast %broadcast_in_dim3A_184 : vector<16x1xi32> to vector<16xi32>
        %gather3A_186 = tpu.dynamic_gather %exp3A[%gather3A_185] in [0] : vector<16xf32>, vector<16xi32> -> vector<16xf32>
        %get3A_187 = arith.index_cast %scan3A_145 : i32 to index
        %get3A_188 = arith.constant 16 : index
        %get3A_189 = tpu.vector_load %arg11[%get3A_187, %get3A_188] {strides = array<i32>} : memref<80x64xf32, #tpu.memory_space<vmem>>, vector<1x16xf32>,
        %get3A_190 = vector.shape_cast %get3A_189 : vector<1x16xf32> to vector<16xf32>
        %mul3A_191 = arith.mulf %gather3A_186, %get3A_190 : vector<16xf32>
        %swap3A_192 = arith.index_cast %scan3A_145 : i32 to index
        %swap3A_193 = arith.constant 16 : index
        %swap3A_194 = tpu.vector_load %arg13[%swap3A_192, %swap3A_193] {strides = array<i32>} : memref<80x48xf32, #tpu.memory_space<vmem>>, vector<1x16xf32>,
        %swap3A_195 = vector.shape_cast %swap3A_194 : vector<1x16xf32> to vector<16xf32>
        %swap3A_196 = vector.shape_cast %mul3A_191 : vector<16xf32> to vector<1x16xf32>
        tpu.vector_store %arg13[%swap3A_192, %swap3A_193], %swap3A_196 {strides = array<i32>} : memref<80x48xf32, #tpu.memory_space<vmem>>, vector<1x16xf32>,
        %lt3A_197 = arith.constant 8 : i32
        %lt3A_198 = vector.broadcast %lt3A_197 : i32 to vector<16xi32>
        %lt3A_199 = arith.cmpi slt, %iota3A_158, %lt3A_198 : vector<16xi32>
        %jit3A_200 = arith.constant 2 : i32
        %jit3A_201 = arith.constant 3 : i32
        %broadcast_in_dim3A_202 = vector.broadcast %jit3A_200 : i32 to vector<16xi32>
        %broadcast_in_dim3A_203 = vector.broadcast %jit3A_201 : i32 to vector<16xi32>
        %select_n3A_204 = arith.select %lt3A_199, %broadcast_in_dim3A_202, %broadcast_in_dim3A_203 : vector<16xi1>, vector<16xi32>
        %broadcast_in_dim3A_205 = vector.shape_cast %select_n3A_204 : vector<16xi32> to vector<16x1xi32>
        %gather3A_206 = vector.shape_cast %broadcast_in_dim3A_205 : vector<16x1xi32> to vector<16xi32>
        %gather3A_207 = tpu.dynamic_gather %exp3A[%gather3A_206] in [0] : vector<16xf32>, vector<16xi32> -> vector<16xf32>
        %get3A_208 = arith.index_cast %scan3A_145 : i32 to index
        %get3A_209 = arith.constant 32 : index
        %get3A_210 = tpu.vector_load %arg11[%get3A_208, %get3A_209] {strides = array<i32>} : memref<80x64xf32, #tpu.memory_space<vmem>>, vector<1x16xf32>,
        %get3A_211 = vector.shape_cast %get3A_210 : vector<1x16xf32> to vector<16xf32>
        %mul3A_212 = arith.mulf %gather3A_207, %get3A_211 : vector<16xf32>
        %swap3A_213 = arith.index_cast %scan3A_145 : i32 to index
        %swap3A_214 = arith.constant 32 : index
        %swap3A_215 = tpu.vector_load %arg13[%swap3A_213, %swap3A_214] {strides = array<i32>} : memref<80x48xf32, #tpu.memory_space<vmem>>, vector<1x16xf32>,
        %swap3A_216 = vector.shape_cast %swap3A_215 : vector<1x16xf32> to vector<16xf32>
        %swap3A_217 = vector.shape_cast %mul3A_212 : vector<16xf32> to vector<1x16xf32>
        tpu.vector_store %arg13[%swap3A_213, %swap3A_214], %swap3A_217 {strides = array<i32>} : memref<80x48xf32, #tpu.memory_space<vmem>>, vector<1x16xf32>,
      }
      %scan3A_144 = arith.constant 80 : i32
      "tpu.region"() ({
        %run_scoped3A_145 = tpu.sem_alloc : memref<!tpu.dma_semaphore, #tpu.memory_space<semaphore_mem>>
        %dma_start3A_146 = arith.constant 0 : i32
        %dma_start3A_147 = arith.constant 0 : i32
        %dma_start3A_148 = tpu.memref_slice %arg14[%dma_start3A_146, %dma_start3A_147] : memref<25088x48xf32, #tpu.memory_space<vmem_shared>> -> memref<25088x48xf32, #tpu.memory_space<vmem_shared>>
        tpu.enqueue_indirect_dma source(%arg13 : memref<80x48xf32, #tpu.memory_space<vmem>>) target(%dma_start3A_148 : memref<25088x48xf32, #tpu.memory_space<vmem_shared>>) offsets(%arg10 : memref<80xi32, #tpu.memory_space<vmem>>) semaphore(%run_scoped3A_145 : memref<!tpu.dma_semaphore, #tpu.memory_space<semaphore_mem>>) {add = true}
        %dma_wait3A_149 = arith.constant 0 : i32
        %dma_wait3A_150 = arith.constant 0 : i32
        %dma_wait3A_151 = tpu.memref_slice %arg14[%dma_wait3A_149, %dma_wait3A_150] : memref<25088x48xf32, #tpu.memory_space<vmem_shared>> -> memref<25088x48xf32, #tpu.memory_space<vmem_shared>>
        tpu.wait_indirect_dma semaphore(%run_scoped3A_145 : memref<!tpu.dma_semaphore, #tpu.memory_space<semaphore_mem>>) src(%arg13 : memref<80x48xf32, #tpu.memory_space<vmem>>) dst(%dma_wait3A_151 : memref<25088x48xf32, #tpu.memory_space<vmem_shared>>)
        tpu.yield
      }) : () -> ()
    }
    %scan3A_11 = arith.constant 625 : i32
    %barrier3A_12 = arith.constant 0 : index
    tpu.barrier barrier_id(%barrier3A_12)
    %mul3A_13 = arith.constant 1568 : i32
    %mul3A_14 = arith.muli %arg1, %mul3A_13 : i32
    %mul3A_15 = arith.constant 1568 : i32
    %mul3A_16 = arith.muli %arg1, %mul3A_15 : i32
    %run_scoped3A = arith.constant 0 : i32
    "tpu.region"() ({
      %run_scoped3A_32 = tpu.sem_alloc : memref<!tpu.dma_semaphore, #tpu.memory_space<semaphore_mem>>
      %dma_start3A = arith.constant 0 : i32
      %dma_start3A_33 = tpu.memref_slice %arg7[%arg0, %run_scoped3A, %mul3A_16, %dma_start3A] : memref<2x2x25088x48xf32, #tpu.memory_space<hbm>> -> memref<1x1x1568x48xf32, #tpu.memory_space<hbm>>
      %dma_start3A_34 = tpu.memref_squeeze %dma_start3A_33 : memref<1x1x1568x48xf32, #tpu.memory_space<hbm>> -> memref<1568x48xf32, #tpu.memory_space<hbm>>
      %dma_start3A_35 = arith.constant 0 : i32
      %dma_start3A_36 = tpu.memref_slice %arg14[%mul3A_14, %dma_start3A_35] : memref<25088x48xf32, #tpu.memory_space<vmem_shared>> -> memref<1568x48xf32, #tpu.memory_space<vmem_shared>>
      tpu.enqueue_dma source(%dma_start3A_36 : memref<1568x48xf32, #tpu.memory_space<vmem_shared>>) target(%dma_start3A_34 : memref<1568x48xf32, #tpu.memory_space<hbm>>) target_semaphore(%run_scoped3A_32 : memref<!tpu.dma_semaphore, #tpu.memory_space<semaphore_mem>>)
      %dma_wait3A = arith.constant 0 : i32
      %dma_wait3A_37 = tpu.memref_slice %arg7[%arg0, %run_scoped3A, %mul3A_16, %dma_wait3A] : memref<2x2x25088x48xf32, #tpu.memory_space<hbm>> -> memref<1x1x1568x48xf32, #tpu.memory_space<hbm>>
      %dma_wait3A_38 = tpu.memref_squeeze %dma_wait3A_37 : memref<1x1x1568x48xf32, #tpu.memory_space<hbm>> -> memref<1568x48xf32, #tpu.memory_space<hbm>>
      %dma_wait3A_39 = arith.constant 0 : i32
      %dma_wait3A_40 = tpu.memref_slice %arg14[%mul3A_14, %dma_wait3A_39] : memref<25088x48xf32, #tpu.memory_space<vmem_shared>> -> memref<1568x48xf32, #tpu.memory_space<vmem_shared>>
      tpu.wait_dma2 semaphore(%run_scoped3A_32 : memref<!tpu.dma_semaphore, #tpu.memory_space<semaphore_mem>>) src(%dma_wait3A_40 : memref<1568x48xf32, #tpu.memory_space<vmem_shared>>) dst(%dma_wait3A_38 : memref<1568x48xf32, #tpu.memory_space<hbm>>)
      tpu.yield
    }) : () -> ()
    %mul3A_17 = arith.constant 1568 : i32
    %mul3A_18 = arith.muli %arg1, %mul3A_17 : i32
    "tpu.region"() ({
      %run_scoped3A_32 = tpu.sem_alloc : memref<!tpu.dma_semaphore, #tpu.memory_space<semaphore_mem>>
      %dma_start3A = arith.constant 0 : i32
      %dma_start3A_33 = tpu.memref_slice %arg14[%mul3A_18, %dma_start3A] : memref<25088x48xf32, #tpu.memory_space<vmem_shared>> -> memref<1568x48xf32, #tpu.memory_space<vmem_shared>>
      tpu.enqueue_dma source(%arg6 : memref<1568x48xf32, #tpu.memory_space<hbm>>) target(%dma_start3A_33 : memref<1568x48xf32, #tpu.memory_space<vmem_shared>>) target_semaphore(%run_scoped3A_32 : memref<!tpu.dma_semaphore, #tpu.memory_space<semaphore_mem>>)
      %dma_wait3A = arith.constant 0 : i32
      %dma_wait3A_34 = tpu.memref_slice %arg14[%mul3A_18, %dma_wait3A] : memref<25088x48xf32, #tpu.memory_space<vmem_shared>> -> memref<1568x48xf32, #tpu.memory_space<vmem_shared>>
      tpu.wait_dma2 semaphore(%run_scoped3A_32 : memref<!tpu.dma_semaphore, #tpu.memory_space<semaphore_mem>>) src(%arg6 : memref<1568x48xf32, #tpu.memory_space<hbm>>) dst(%dma_wait3A_34 : memref<1568x48xf32, #tpu.memory_space<vmem_shared>>)
      tpu.yield
    }) : () -> ()
    %barrier3A_19 = arith.constant 0 : index
    tpu.barrier barrier_id(%barrier3A_19)
    %scan3A_20 = arith.constant 0 : i32
    %scan3A_21 = arith.constant 0 : i32
    %scan3A_22 = arith.constant 625 : i32
    %scan3A_23 = arith.addi %scan3A_21, %scan3A_22 : i32
    %scan3A_24 = arith.constant 1 : i32
    scf.for %scan3A_32 = %scan3A_21 to %scan3A_23 step %scan3A_24  : i32 {
      %mul3A_33 = arith.constant 50000 : i32
      %mul3A_34 = arith.muli %arg1, %mul3A_33 : i32
      %mul3A_35 = arith.constant 80 : i32
      %mul3A_36 = arith.muli %scan3A_32, %mul3A_35 : i32
      %add3A = arith.addi %mul3A_34, %mul3A_36 : i32
      %run_scoped3A_37 = arith.constant 0 : i32
      "tpu.region"() ({
        %run_scoped3A_145 = tpu.sem_alloc : memref<!tpu.dma_semaphore, #tpu.memory_space<semaphore_mem>>
        %dma_start3A_146 = tpu.memref_slice %arg5[%run_scoped3A_37, %add3A] : memref<2x800000xi32, #tpu.memory_space<hbm>> -> memref<1x80xi32, #tpu.memory_space<hbm>>
        %dma_start3A_147 = tpu.memref_squeeze %dma_start3A_146 : memref<1x80xi32, #tpu.memory_space<hbm>> -> memref<80xi32, #tpu.memory_space<hbm>>
        %dma_start3A_148 = tpu.memref_slice %arg5[%run_scoped3A_37, %add3A] : memref<2x800000xi32, #tpu.memory_space<hbm>> -> memref<1x80xi32, #tpu.memory_space<hbm>>
        %dma_start3A_149 = tpu.memref_squeeze %dma_start3A_148 : memref<1x80xi32, #tpu.memory_space<hbm>> -> memref<80xi32, #tpu.memory_space<hbm>>
        tpu.enqueue_dma source(%dma_start3A_149 : memref<80xi32, #tpu.memory_space<hbm>>) target(%arg8 : memref<80xi32, #tpu.memory_space<vmem>>) target_semaphore(%run_scoped3A_145 : memref<!tpu.dma_semaphore, #tpu.memory_space<semaphore_mem>>)
        %dma_wait3A_150 = tpu.memref_slice %arg5[%run_scoped3A_37, %add3A] : memref<2x800000xi32, #tpu.memory_space<hbm>> -> memref<1x80xi32, #tpu.memory_space<hbm>>
        %dma_wait3A_151 = tpu.memref_squeeze %dma_wait3A_150 : memref<1x80xi32, #tpu.memory_space<hbm>> -> memref<80xi32, #tpu.memory_space<hbm>>
        %dma_wait3A_152 = tpu.memref_slice %arg5[%run_scoped3A_37, %add3A] : memref<2x800000xi32, #tpu.memory_space<hbm>> -> memref<1x80xi32, #tpu.memory_space<hbm>>
        %dma_wait3A_153 = tpu.memref_squeeze %dma_wait3A_152 : memref<1x80xi32, #tpu.memory_space<hbm>> -> memref<80xi32, #tpu.memory_space<hbm>>
        tpu.wait_dma2 semaphore(%run_scoped3A_145 : memref<!tpu.dma_semaphore, #tpu.memory_space<semaphore_mem>>) src(%dma_wait3A_153 : memref<80xi32, #tpu.memory_space<hbm>>) dst(%arg8 : memref<80xi32, #tpu.memory_space<vmem>>)
        tpu.yield
      }) : () -> ()
      %run_scoped3A_38 = arith.constant 1 : i32
      "tpu.region"() ({
        %run_scoped3A_145 = tpu.sem_alloc : memref<!tpu.dma_semaphore, #tpu.memory_space<semaphore_mem>>
        %dma_start3A_146 = tpu.memref_slice %arg5[%run_scoped3A_38, %add3A] : memref<2x800000xi32, #tpu.memory_space<hbm>> -> memref<1x80xi32, #tpu.memory_space<hbm>>
        %dma_start3A_147 = tpu.memref_squeeze %dma_start3A_146 : memref<1x80xi32, #tpu.memory_space<hbm>> -> memref<80xi32, #tpu.memory_space<hbm>>
        %dma_start3A_148 = tpu.memref_slice %arg5[%run_scoped3A_38, %add3A] : memref<2x800000xi32, #tpu.memory_space<hbm>> -> memref<1x80xi32, #tpu.memory_space<hbm>>
        %dma_start3A_149 = tpu.memref_squeeze %dma_start3A_148 : memref<1x80xi32, #tpu.memory_space<hbm>> -> memref<80xi32, #tpu.memory_space<hbm>>
        tpu.enqueue_dma source(%dma_start3A_149 : memref<80xi32, #tpu.memory_space<hbm>>) target(%arg9 : memref<80xi32, #tpu.memory_space<vmem>>) target_semaphore(%run_scoped3A_145 : memref<!tpu.dma_semaphore, #tpu.memory_space<semaphore_mem>>)
        %dma_wait3A_150 = tpu.memref_slice %arg5[%run_scoped3A_38, %add3A] : memref<2x800000xi32, #tpu.memory_space<hbm>> -> memref<1x80xi32, #tpu.memory_space<hbm>>
        %dma_wait3A_151 = tpu.memref_squeeze %dma_wait3A_150 : memref<1x80xi32, #tpu.memory_space<hbm>> -> memref<80xi32, #tpu.memory_space<hbm>>
        %dma_wait3A_152 = tpu.memref_slice %arg5[%run_scoped3A_38, %add3A] : memref<2x800000xi32, #tpu.memory_space<hbm>> -> memref<1x80xi32, #tpu.memory_space<hbm>>
        %dma_wait3A_153 = tpu.memref_squeeze %dma_wait3A_152 : memref<1x80xi32, #tpu.memory_space<hbm>> -> memref<80xi32, #tpu.memory_space<hbm>>
        tpu.wait_dma2 semaphore(%run_scoped3A_145 : memref<!tpu.dma_semaphore, #tpu.memory_space<semaphore_mem>>) src(%dma_wait3A_153 : memref<80xi32, #tpu.memory_space<hbm>>) dst(%arg9 : memref<80xi32, #tpu.memory_space<vmem>>)
        tpu.yield
      }) : () -> ()
      %dma_start3A = arith.constant 0 : i32
      %dma_start3A_39 = arith.constant 0 : i32
      %dma_start3A_40 = tpu.memref_slice %arg3[%dma_start3A, %dma_start3A_39] : memref<50176x64xf32, #tpu.memory_space<hbm>> -> memref<50176x64xf32, #tpu.memory_space<hbm>>
      tpu.enqueue_indirect_dma source(%dma_start3A_40 : memref<50176x64xf32, #tpu.memory_space<hbm>>) target(%arg11 : memref<80x64xf32, #tpu.memory_space<vmem>>) offsets(%arg8 : memref<80xi32, #tpu.memory_space<vmem>>) semaphore(%arg15 : memref<!tpu.dma_semaphore, #tpu.memory_space<semaphore_mem>>)
      %dma_wait3A = arith.constant 0 : i32
      %dma_wait3A_41 = arith.constant 0 : i32
      %dma_wait3A_42 = tpu.memref_slice %arg3[%dma_wait3A, %dma_wait3A_41] : memref<50176x64xf32, #tpu.memory_space<hbm>> -> memref<50176x64xf32, #tpu.memory_space<hbm>>
      tpu.wait_indirect_dma semaphore(%arg15 : memref<!tpu.dma_semaphore, #tpu.memory_space<semaphore_mem>>) src(%dma_wait3A_42 : memref<50176x64xf32, #tpu.memory_space<hbm>>) dst(%arg11 : memref<80x64xf32, #tpu.memory_space<vmem>>)
      %dma_start3A_43 = arith.constant 0 : i32
      %dma_start3A_44 = arith.constant 0 : i32
      %dma_start3A_45 = tpu.memref_slice %arg4[%dma_start3A_43, %dma_start3A_44] : memref<50176x16xf32, #tpu.memory_space<hbm>> -> memref<50176x16xf32, #tpu.memory_space<hbm>>
      tpu.enqueue_indirect_dma source(%dma_start3A_45 : memref<50176x16xf32, #tpu.memory_space<hbm>>) target(%arg12 : memref<80x16xf32, #tpu.memory_space<vmem>>) offsets(%arg9 : memref<80xi32, #tpu.memory_space<vmem>>) semaphore(%arg15 : memref<!tpu.dma_semaphore, #tpu.memory_space<semaphore_mem>>)
      %dma_wait3A_46 = arith.constant 0 : i32
      %dma_wait3A_47 = arith.constant 0 : i32
      %dma_wait3A_48 = tpu.memref_slice %arg4[%dma_wait3A_46, %dma_wait3A_47] : memref<50176x16xf32, #tpu.memory_space<hbm>> -> memref<50176x16xf32, #tpu.memory_space<hbm>>
      tpu.wait_indirect_dma semaphore(%arg15 : memref<!tpu.dma_semaphore, #tpu.memory_space<semaphore_mem>>) src(%dma_wait3A_48 : memref<50176x16xf32, #tpu.memory_space<hbm>>) dst(%arg12 : memref<80x16xf32, #tpu.memory_space<vmem>>)
      %get3A = arith.constant 0 : index
      %get3A_49 = tpu.vector_load %arg9[%get3A] {strides = array<i32>} : memref<80xi32, #tpu.memory_space<vmem>>, vector<16xi32>,
      %get3A_50 = vector.shape_cast %get3A_49 : vector<16xi32> to vector<16xi32>
      %ge3A = vector.broadcast %mul3A_0 : i32 to vector<16xi32>
      %ge3A_51 = arith.cmpi sge, %get3A_50, %ge3A : vector<16xi32>
      %add3A_52 = arith.constant 25000 : i32
      %add3A_53 = arith.addi %mul3A_0, %add3A_52 : i32
      %lt3A_54 = vector.broadcast %add3A_53 : i32 to vector<16xi32>
      %lt3A_55 = arith.cmpi slt, %get3A_50, %lt3A_54 : vector<16xi32>
      %and3A = arith.andi %ge3A_51, %lt3A_55 : vector<16xi1>
      %sub3A = vector.broadcast %mul3A_0 : i32 to vector<16xi32>
      %sub3A_56 = arith.subi %get3A_50, %sub3A : vector<16xi32>
      %jit3A_57 = arith.constant 25080 : i32
      %broadcast_in_dim3A_58 = vector.broadcast %jit3A_57 : i32 to vector<16xi32>
      %select_n3A_59 = arith.select %and3A, %sub3A_56, %broadcast_in_dim3A_58 : vector<16xi1>, vector<16xi32>
      %swap3A = arith.constant 0 : index
      %swap3A_60 = tpu.vector_load %arg10[%swap3A] {strides = array<i32>} : memref<80xi32, #tpu.memory_space<vmem>>, vector<16xi32>,
      %swap3A_61 = vector.shape_cast %swap3A_60 : vector<16xi32> to vector<16xi32>
      %swap3A_62 = vector.shape_cast %select_n3A_59 : vector<16xi32> to vector<16xi32>
      tpu.vector_store %arg10[%swap3A], %swap3A_62 {strides = array<i32>} : memref<80xi32, #tpu.memory_space<vmem>>, vector<16xi32>,
      %get3A_63 = arith.constant 16 : index
      %get3A_64 = tpu.vector_load %arg9[%get3A_63] {strides = array<i32>} : memref<80xi32, #tpu.memory_space<vmem>>, vector<16xi32>,
      %get3A_65 = vector.shape_cast %get3A_64 : vector<16xi32> to vector<16xi32>
      %ge3A_66 = vector.broadcast %mul3A_0 : i32 to vector<16xi32>
      %ge3A_67 = arith.cmpi sge, %get3A_65, %ge3A_66 : vector<16xi32>
      %add3A_68 = arith.constant 25000 : i32
      %add3A_69 = arith.addi %mul3A_0, %add3A_68 : i32
      %lt3A_70 = vector.broadcast %add3A_69 : i32 to vector<16xi32>
      %lt3A_71 = arith.cmpi slt, %get3A_65, %lt3A_70 : vector<16xi32>
      %and3A_72 = arith.andi %ge3A_67, %lt3A_71 : vector<16xi1>
      %sub3A_73 = vector.broadcast %mul3A_0 : i32 to vector<16xi32>
      %sub3A_74 = arith.subi %get3A_65, %sub3A_73 : vector<16xi32>
      %jit3A_75 = arith.constant 25080 : i32
      %broadcast_in_dim3A_76 = vector.broadcast %jit3A_75 : i32 to vector<16xi32>
      %select_n3A_77 = arith.select %and3A_72, %sub3A_74, %broadcast_in_dim3A_76 : vector<16xi1>, vector<16xi32>
      %swap3A_78 = arith.constant 16 : index
      %swap3A_79 = tpu.vector_load %arg10[%swap3A_78] {strides = array<i32>} : memref<80xi32, #tpu.memory_space<vmem>>, vector<16xi32>,
      %swap3A_80 = vector.shape_cast %swap3A_79 : vector<16xi32> to vector<16xi32>
      %swap3A_81 = vector.shape_cast %select_n3A_77 : vector<16xi32> to vector<16xi32>
      tpu.vector_store %arg10[%swap3A_78], %swap3A_81 {strides = array<i32>} : memref<80xi32, #tpu.memory_space<vmem>>, vector<16xi32>,
      %get3A_82 = arith.constant 32 : index
      %get3A_83 = tpu.vector_load %arg9[%get3A_82] {strides = array<i32>} : memref<80xi32, #tpu.memory_space<vmem>>, vector<16xi32>,
      %get3A_84 = vector.shape_cast %get3A_83 : vector<16xi32> to vector<16xi32>
      %ge3A_85 = vector.broadcast %mul3A_0 : i32 to vector<16xi32>
      %ge3A_86 = arith.cmpi sge, %get3A_84, %ge3A_85 : vector<16xi32>
      %add3A_87 = arith.constant 25000 : i32
      %add3A_88 = arith.addi %mul3A_0, %add3A_87 : i32
      %lt3A_89 = vector.broadcast %add3A_88 : i32 to vector<16xi32>
      %lt3A_90 = arith.cmpi slt, %get3A_84, %lt3A_89 : vector<16xi32>
      %and3A_91 = arith.andi %ge3A_86, %lt3A_90 : vector<16xi1>
      %sub3A_92 = vector.broadcast %mul3A_0 : i32 to vector<16xi32>
      %sub3A_93 = arith.subi %get3A_84, %sub3A_92 : vector<16xi32>
      %jit3A_94 = arith.constant 25080 : i32
      %broadcast_in_dim3A_95 = vector.broadcast %jit3A_94 : i32 to vector<16xi32>
      %select_n3A_96 = arith.select %and3A_91, %sub3A_93, %broadcast_in_dim3A_95 : vector<16xi1>, vector<16xi32>
      %swap3A_97 = arith.constant 32 : index
      %swap3A_98 = tpu.vector_load %arg10[%swap3A_97] {strides = array<i32>} : memref<80xi32, #tpu.memory_space<vmem>>, vector<16xi32>,
      %swap3A_99 = vector.shape_cast %swap3A_98 : vector<16xi32> to vector<16xi32>
      %swap3A_100 = vector.shape_cast %select_n3A_96 : vector<16xi32> to vector<16xi32>
      tpu.vector_store %arg10[%swap3A_97], %swap3A_100 {strides = array<i32>} : memref<80xi32, #tpu.memory_space<vmem>>, vector<16xi32>,
      %get3A_101 = arith.constant 48 : index
      %get3A_102 = tpu.vector_load %arg9[%get3A_101] {strides = array<i32>} : memref<80xi32, #tpu.memory_space<vmem>>, vector<16xi32>,
      %get3A_103 = vector.shape_cast %get3A_102 : vector<16xi32> to vector<16xi32>
      %ge3A_104 = vector.broadcast %mul3A_0 : i32 to vector<16xi32>
      %ge3A_105 = arith.cmpi sge, %get3A_103, %ge3A_104 : vector<16xi32>
      %add3A_106 = arith.constant 25000 : i32
      %add3A_107 = arith.addi %mul3A_0, %add3A_106 : i32
      %lt3A_108 = vector.broadcast %add3A_107 : i32 to vector<16xi32>
      %lt3A_109 = arith.cmpi slt, %get3A_103, %lt3A_108 : vector<16xi32>
      %and3A_110 = arith.andi %ge3A_105, %lt3A_109 : vector<16xi1>
      %sub3A_111 = vector.broadcast %mul3A_0 : i32 to vector<16xi32>
      %sub3A_112 = arith.subi %get3A_103, %sub3A_111 : vector<16xi32>
      %jit3A_113 = arith.constant 25080 : i32
      %broadcast_in_dim3A_114 = vector.broadcast %jit3A_113 : i32 to vector<16xi32>
      %select_n3A_115 = arith.select %and3A_110, %sub3A_112, %broadcast_in_dim3A_114 : vector<16xi1>, vector<16xi32>
      %swap3A_116 = arith.constant 48 : index
      %swap3A_117 = tpu.vector_load %arg10[%swap3A_116] {strides = array<i32>} : memref<80xi32, #tpu.memory_space<vmem>>, vector<16xi32>,
      %swap3A_118 = vector.shape_cast %swap3A_117 : vector<16xi32> to vector<16xi32>
      %swap3A_119 = vector.shape_cast %select_n3A_115 : vector<16xi32> to vector<16xi32>
      tpu.vector_store %arg10[%swap3A_116], %swap3A_119 {strides = array<i32>} : memref<80xi32, #tpu.memory_space<vmem>>, vector<16xi32>,
      %get3A_120 = arith.constant 64 : index
      %get3A_121 = tpu.vector_load %arg9[%get3A_120] {strides = array<i32>} : memref<80xi32, #tpu.memory_space<vmem>>, vector<16xi32>,
      %get3A_122 = vector.shape_cast %get3A_121 : vector<16xi32> to vector<16xi32>
      %ge3A_123 = vector.broadcast %mul3A_0 : i32 to vector<16xi32>
      %ge3A_124 = arith.cmpi sge, %get3A_122, %ge3A_123 : vector<16xi32>
      %add3A_125 = arith.constant 25000 : i32
      %add3A_126 = arith.addi %mul3A_0, %add3A_125 : i32
      %lt3A_127 = vector.broadcast %add3A_126 : i32 to vector<16xi32>
      %lt3A_128 = arith.cmpi slt, %get3A_122, %lt3A_127 : vector<16xi32>
      %and3A_129 = arith.andi %ge3A_124, %lt3A_128 : vector<16xi1>
      %sub3A_130 = vector.broadcast %mul3A_0 : i32 to vector<16xi32>
      %sub3A_131 = arith.subi %get3A_122, %sub3A_130 : vector<16xi32>
      %jit3A_132 = arith.constant 25080 : i32
      %broadcast_in_dim3A_133 = vector.broadcast %jit3A_132 : i32 to vector<16xi32>
      %select_n3A_134 = arith.select %and3A_129, %sub3A_131, %broadcast_in_dim3A_133 : vector<16xi1>, vector<16xi32>
      %swap3A_135 = arith.constant 64 : index
      %swap3A_136 = tpu.vector_load %arg10[%swap3A_135] {strides = array<i32>} : memref<80xi32, #tpu.memory_space<vmem>>, vector<16xi32>,
      %swap3A_137 = vector.shape_cast %swap3A_136 : vector<16xi32> to vector<16xi32>
      %swap3A_138 = vector.shape_cast %select_n3A_134 : vector<16xi32> to vector<16xi32>
      tpu.vector_store %arg10[%swap3A_135], %swap3A_138 {strides = array<i32>} : memref<80xi32, #tpu.memory_space<vmem>>, vector<16xi32>,
      %scan3A_139 = arith.constant 0 : i32
      %scan3A_140 = arith.constant 0 : i32
      %scan3A_141 = arith.constant 80 : i32
      %scan3A_142 = arith.addi %scan3A_140, %scan3A_141 : i32
      %scan3A_143 = arith.constant 1 : i32
      scf.for %scan3A_145 = %scan3A_140 to %scan3A_142 step %scan3A_143  : i32 {
        %get3A_146 = arith.index_cast %scan3A_145 : i32 to index
        %get3A_147 = arith.constant 0 : index
        %get3A_148 = tpu.vector_load %arg11[%get3A_146, %get3A_147] {strides = array<i32>} : memref<80x64xf32, #tpu.memory_space<vmem>>, vector<1x16xf32>,
        %get3A_149 = vector.shape_cast %get3A_148 : vector<1x16xf32> to vector<16xf32>
        %get3A_150 = arith.index_cast %scan3A_145 : i32 to index
        %get3A_151 = arith.constant 0 : index
        %get3A_152 = tpu.vector_load %arg12[%get3A_150, %get3A_151] {strides = array<i32>} : memref<80x16xf32, #tpu.memory_space<vmem>>, vector<1x16xf32>,
        %get3A_153 = vector.shape_cast %get3A_152 : vector<1x16xf32> to vector<16xf32>
        %add3A_154 = arith.addf %get3A_149, %get3A_153 : vector<16xf32>
        %mul3A_155 = arith.constant 2.000000e-01 : f32
        %mul3A_156 = vector.broadcast %mul3A_155 : f32 to vector<16xf32>
        %mul3A_157 = arith.mulf %mul3A_156, %add3A_154 : vector<16xf32>
        %max3A = arith.maximumf %add3A_154, %mul3A_157 : vector<16xf32>
        %exp3A = math.exp %max3A : vector<16xf32>
        %iota3A_158 = tpu.iota {dimensions = array<i32: 0>} : vector<16xi32>
        %lt3A_159 = arith.constant 4 : i32
        %lt3A_160 = vector.broadcast %lt3A_159 : i32 to vector<16xi32>
        %lt3A_161 = arith.cmpi slt, %iota3A_158, %lt3A_160 : vector<16xi32>
        %add3A_162 = arith.constant 4 : i32
        %add3A_163 = vector.broadcast %add3A_162 : i32 to vector<16xi32>
        %add3A_164 = arith.addi %iota3A_158, %add3A_163 : vector<16xi32>
        %jit3A_165 = arith.constant 0 : i32
        %broadcast_in_dim3A_166 = vector.broadcast %jit3A_165 : i32 to vector<16xi32>
        %select_n3A_167 = arith.select %lt3A_161, %add3A_164, %broadcast_in_dim3A_166 : vector<16xi1>, vector<16xi32>
        %broadcast_in_dim3A_168 = vector.shape_cast %select_n3A_167 : vector<16xi32> to vector<16x1xi32>
        %gather3A = vector.shape_cast %broadcast_in_dim3A_168 : vector<16x1xi32> to vector<16xi32>
        %gather3A_169 = tpu.dynamic_gather %exp3A[%gather3A] in [0] : vector<16xf32>, vector<16xi32> -> vector<16xf32>
        %mul3A_170 = arith.mulf %gather3A_169, %select_n3A : vector<16xf32>
        %swap3A_171 = arith.index_cast %scan3A_145 : i32 to index
        %swap3A_172 = arith.constant 0 : index
        %swap3A_173 = tpu.vector_load %arg13[%swap3A_171, %swap3A_172] {strides = array<i32>} : memref<80x48xf32, #tpu.memory_space<vmem>>, vector<1x16xf32>,
        %swap3A_174 = vector.shape_cast %swap3A_173 : vector<1x16xf32> to vector<16xf32>
        %swap3A_175 = vector.shape_cast %mul3A_170 : vector<16xf32> to vector<1x16xf32>
        tpu.vector_store %arg13[%swap3A_171, %swap3A_172], %swap3A_175 {strides = array<i32>} : memref<80x48xf32, #tpu.memory_space<vmem>>, vector<1x16xf32>,
        %lt3A_176 = arith.constant 8 : i32
        %lt3A_177 = vector.broadcast %lt3A_176 : i32 to vector<16xi32>
        %lt3A_178 = arith.cmpi slt, %iota3A_158, %lt3A_177 : vector<16xi32>
        %jit3A_179 = arith.constant 4 : i32
        %jit3A_180 = arith.constant 5 : i32
        %broadcast_in_dim3A_181 = vector.broadcast %jit3A_179 : i32 to vector<16xi32>
        %broadcast_in_dim3A_182 = vector.broadcast %jit3A_180 : i32 to vector<16xi32>
        %select_n3A_183 = arith.select %lt3A_178, %broadcast_in_dim3A_181, %broadcast_in_dim3A_182 : vector<16xi1>, vector<16xi32>
        %broadcast_in_dim3A_184 = vector.shape_cast %select_n3A_183 : vector<16xi32> to vector<16x1xi32>
        %gather3A_185 = vector.shape_cast %broadcast_in_dim3A_184 : vector<16x1xi32> to vector<16xi32>
        %gather3A_186 = tpu.dynamic_gather %exp3A[%gather3A_185] in [0] : vector<16xf32>, vector<16xi32> -> vector<16xf32>
        %get3A_187 = arith.index_cast %scan3A_145 : i32 to index
        %get3A_188 = arith.constant 16 : index
        %get3A_189 = tpu.vector_load %arg11[%get3A_187, %get3A_188] {strides = array<i32>} : memref<80x64xf32, #tpu.memory_space<vmem>>, vector<1x16xf32>,
        %get3A_190 = vector.shape_cast %get3A_189 : vector<1x16xf32> to vector<16xf32>
        %mul3A_191 = arith.mulf %gather3A_186, %get3A_190 : vector<16xf32>
        %swap3A_192 = arith.index_cast %scan3A_145 : i32 to index
        %swap3A_193 = arith.constant 16 : index
        %swap3A_194 = tpu.vector_load %arg13[%swap3A_192, %swap3A_193] {strides = array<i32>} : memref<80x48xf32, #tpu.memory_space<vmem>>, vector<1x16xf32>,
        %swap3A_195 = vector.shape_cast %swap3A_194 : vector<1x16xf32> to vector<16xf32>
        %swap3A_196 = vector.shape_cast %mul3A_191 : vector<16xf32> to vector<1x16xf32>
        tpu.vector_store %arg13[%swap3A_192, %swap3A_193], %swap3A_196 {strides = array<i32>} : memref<80x48xf32, #tpu.memory_space<vmem>>, vector<1x16xf32>,
        %lt3A_197 = arith.constant 8 : i32
        %lt3A_198 = vector.broadcast %lt3A_197 : i32 to vector<16xi32>
        %lt3A_199 = arith.cmpi slt, %iota3A_158, %lt3A_198 : vector<16xi32>
        %jit3A_200 = arith.constant 6 : i32
        %jit3A_201 = arith.constant 7 : i32
        %broadcast_in_dim3A_202 = vector.broadcast %jit3A_200 : i32 to vector<16xi32>
        %broadcast_in_dim3A_203 = vector.broadcast %jit3A_201 : i32 to vector<16xi32>
        %select_n3A_204 = arith.select %lt3A_199, %broadcast_in_dim3A_202, %broadcast_in_dim3A_203 : vector<16xi1>, vector<16xi32>
        %broadcast_in_dim3A_205 = vector.shape_cast %select_n3A_204 : vector<16xi32> to vector<16x1xi32>
        %gather3A_206 = vector.shape_cast %broadcast_in_dim3A_205 : vector<16x1xi32> to vector<16xi32>
        %gather3A_207 = tpu.dynamic_gather %exp3A[%gather3A_206] in [0] : vector<16xf32>, vector<16xi32> -> vector<16xf32>
        %get3A_208 = arith.index_cast %scan3A_145 : i32 to index
        %get3A_209 = arith.constant 32 : index
        %get3A_210 = tpu.vector_load %arg11[%get3A_208, %get3A_209] {strides = array<i32>} : memref<80x64xf32, #tpu.memory_space<vmem>>, vector<1x16xf32>,
        %get3A_211 = vector.shape_cast %get3A_210 : vector<1x16xf32> to vector<16xf32>
        %mul3A_212 = arith.mulf %gather3A_207, %get3A_211 : vector<16xf32>
        %swap3A_213 = arith.index_cast %scan3A_145 : i32 to index
        %swap3A_214 = arith.constant 32 : index
        %swap3A_215 = tpu.vector_load %arg13[%swap3A_213, %swap3A_214] {strides = array<i32>} : memref<80x48xf32, #tpu.memory_space<vmem>>, vector<1x16xf32>,
        %swap3A_216 = vector.shape_cast %swap3A_215 : vector<1x16xf32> to vector<16xf32>
        %swap3A_217 = vector.shape_cast %mul3A_212 : vector<16xf32> to vector<1x16xf32>
        tpu.vector_store %arg13[%swap3A_213, %swap3A_214], %swap3A_217 {strides = array<i32>} : memref<80x48xf32, #tpu.memory_space<vmem>>, vector<1x16xf32>,
      }
      %scan3A_144 = arith.constant 80 : i32
      "tpu.region"() ({
        %run_scoped3A_145 = tpu.sem_alloc : memref<!tpu.dma_semaphore, #tpu.memory_space<semaphore_mem>>
        %dma_start3A_146 = arith.constant 0 : i32
        %dma_start3A_147 = arith.constant 0 : i32
        %dma_start3A_148 = tpu.memref_slice %arg14[%dma_start3A_146, %dma_start3A_147] : memref<25088x48xf32, #tpu.memory_space<vmem_shared>> -> memref<25088x48xf32, #tpu.memory_space<vmem_shared>>
        tpu.enqueue_indirect_dma source(%arg13 : memref<80x48xf32, #tpu.memory_space<vmem>>) target(%dma_start3A_148 : memref<25088x48xf32, #tpu.memory_space<vmem_shared>>) offsets(%arg10 : memref<80xi32, #tpu.memory_space<vmem>>) semaphore(%run_scoped3A_145 : memref<!tpu.dma_semaphore, #tpu.memory_space<semaphore_mem>>) {add = true}
        %dma_wait3A_149 = arith.constant 0 : i32
        %dma_wait3A_150 = arith.constant 0 : i32
        %dma_wait3A_151 = tpu.memref_slice %arg14[%dma_wait3A_149, %dma_wait3A_150] : memref<25088x48xf32, #tpu.memory_space<vmem_shared>> -> memref<25088x48xf32, #tpu.memory_space<vmem_shared>>
        tpu.wait_indirect_dma semaphore(%run_scoped3A_145 : memref<!tpu.dma_semaphore, #tpu.memory_space<semaphore_mem>>) src(%arg13 : memref<80x48xf32, #tpu.memory_space<vmem>>) dst(%dma_wait3A_151 : memref<25088x48xf32, #tpu.memory_space<vmem_shared>>)
        tpu.yield
      }) : () -> ()
    }
    %scan3A_25 = arith.constant 625 : i32
    %barrier3A_26 = arith.constant 0 : index
    tpu.barrier barrier_id(%barrier3A_26)
    %mul3A_27 = arith.constant 1568 : i32
    %mul3A_28 = arith.muli %arg1, %mul3A_27 : i32
    %mul3A_29 = arith.constant 1568 : i32
    %mul3A_30 = arith.muli %arg1, %mul3A_29 : i32
    %run_scoped3A_31 = arith.constant 1 : i32
    "tpu.region"() ({
      %run_scoped3A_32 = tpu.sem_alloc : memref<!tpu.dma_semaphore, #tpu.memory_space<semaphore_mem>>
      %dma_start3A = arith.constant 0 : i32
      %dma_start3A_33 = tpu.memref_slice %arg7[%arg0, %run_scoped3A_31, %mul3A_30, %dma_start3A] : memref<2x2x25088x48xf32, #tpu.memory_space<hbm>> -> memref<1x1x1568x48xf32, #tpu.memory_space<hbm>>
      %dma_start3A_34 = tpu.memref_squeeze %dma_start3A_33 : memref<1x1x1568x48xf32, #tpu.memory_space<hbm>> -> memref<1568x48xf32, #tpu.memory_space<hbm>>
      %dma_start3A_35 = arith.constant 0 : i32
      %dma_start3A_36 = tpu.memref_slice %arg14[%mul3A_28, %dma_start3A_35] : memref<25088x48xf32, #tpu.memory_space<vmem_shared>> -> memref<1568x48xf32, #tpu.memory_space<vmem_shared>>
      tpu.enqueue_dma source(%dma_start3A_36 : memref<1568x48xf32, #tpu.memory_space<vmem_shared>>) target(%dma_start3A_34 : memref<1568x48xf32, #tpu.memory_space<hbm>>) target_semaphore(%run_scoped3A_32 : memref<!tpu.dma_semaphore, #tpu.memory_space<semaphore_mem>>)
      %dma_wait3A = arith.constant 0 : i32
      %dma_wait3A_37 = tpu.memref_slice %arg7[%arg0, %run_scoped3A_31, %mul3A_30, %dma_wait3A] : memref<2x2x25088x48xf32, #tpu.memory_space<hbm>> -> memref<1x1x1568x48xf32, #tpu.memory_space<hbm>>
      %dma_wait3A_38 = tpu.memref_squeeze %dma_wait3A_37 : memref<1x1x1568x48xf32, #tpu.memory_space<hbm>> -> memref<1568x48xf32, #tpu.memory_space<hbm>>
      %dma_wait3A_39 = arith.constant 0 : i32
      %dma_wait3A_40 = tpu.memref_slice %arg14[%mul3A_28, %dma_wait3A_39] : memref<25088x48xf32, #tpu.memory_space<vmem_shared>> -> memref<1568x48xf32, #tpu.memory_space<vmem_shared>>
      tpu.wait_dma2 semaphore(%run_scoped3A_32 : memref<!tpu.dma_semaphore, #tpu.memory_space<semaphore_mem>>) src(%dma_wait3A_40 : memref<1568x48xf32, #tpu.memory_space<vmem_shared>>) dst(%dma_wait3A_38 : memref<1568x48xf32, #tpu.memory_space<hbm>>)
      tpu.yield
    }) : () -> ()
    return
  }
}

#map = affine_map<(d0, d1) -> (0, 0)>
#map1 = affine_map<(d0, d1) -> (0)>
module attributes {stable_mosaic.version = 14 : i64} {
  func.func @_sc_gather(%arg0: i32, %arg1: i32, %arg2: memref<1000000x32xf32, #tpu.memory_space<hbm>>, %arg3: memref<50176xi32, #tpu.memory_space<hbm>>, %arg4: memref<50176x32xf32, #tpu.memory_space<hbm>>, %arg5: memref<1568xi32, #tpu.memory_space<vmem>>, %arg6: memref<1568x32xf32, #tpu.memory_space<vmem>>, %arg7: memref<!tpu.dma_semaphore, #tpu.memory_space<semaphore_mem>>) attributes {dimension_semantics = [#tpu.dimension_semantics<core_parallel>, #tpu.dimension_semantics<subcore_parallel>], iteration_bounds = array<i64: 2, 16>, scalar_prefetch = 0 : i64, scratch_operands = 3 : i64, tpu.core_type = #tpu.core_type<sc_vector_subcore>, window_params = [{transform_indices = #map}, {transform_indices = #map1}, {transform_indices = #map}]} {
    %mul3A = arith.constant 2 : i32
    %mul3A_0 = arith.muli %arg1, %mul3A : i32
    %add3A = arith.addi %mul3A_0, %arg0 : i32
    %mul3A_1 = arith.constant 1568 : i32
    %mul3A_2 = arith.muli %add3A, %mul3A_1 : i32
    "tpu.region"() ({
      %run_scoped3A = tpu.sem_alloc : memref<!tpu.dma_semaphore, #tpu.memory_space<semaphore_mem>>
      %dma_start3A_7 = tpu.memref_slice %arg3[%mul3A_2] : memref<50176xi32, #tpu.memory_space<hbm>> -> memref<1568xi32, #tpu.memory_space<hbm>>
      %dma_start3A_8 = tpu.memref_slice %arg3[%mul3A_2] : memref<50176xi32, #tpu.memory_space<hbm>> -> memref<1568xi32, #tpu.memory_space<hbm>>
      tpu.enqueue_dma source(%dma_start3A_8 : memref<1568xi32, #tpu.memory_space<hbm>>) target(%arg5 : memref<1568xi32, #tpu.memory_space<vmem>>) target_semaphore(%run_scoped3A : memref<!tpu.dma_semaphore, #tpu.memory_space<semaphore_mem>>)
      %dma_wait3A_9 = tpu.memref_slice %arg3[%mul3A_2] : memref<50176xi32, #tpu.memory_space<hbm>> -> memref<1568xi32, #tpu.memory_space<hbm>>
      %dma_wait3A_10 = tpu.memref_slice %arg3[%mul3A_2] : memref<50176xi32, #tpu.memory_space<hbm>> -> memref<1568xi32, #tpu.memory_space<hbm>>
      tpu.wait_dma2 semaphore(%run_scoped3A : memref<!tpu.dma_semaphore, #tpu.memory_space<semaphore_mem>>) src(%dma_wait3A_10 : memref<1568xi32, #tpu.memory_space<hbm>>) dst(%arg5 : memref<1568xi32, #tpu.memory_space<vmem>>)
      tpu.yield
    }) : () -> ()
    %dma_start3A = arith.constant 0 : i32
    %dma_start3A_3 = arith.constant 0 : i32
    %dma_start3A_4 = tpu.memref_slice %arg2[%dma_start3A, %dma_start3A_3] : memref<1000000x32xf32, #tpu.memory_space<hbm>> -> memref<1000000x32xf32, #tpu.memory_space<hbm>>
    tpu.enqueue_indirect_dma source(%dma_start3A_4 : memref<1000000x32xf32, #tpu.memory_space<hbm>>) target(%arg6 : memref<1568x32xf32, #tpu.memory_space<vmem>>) offsets(%arg5 : memref<1568xi32, #tpu.memory_space<vmem>>) semaphore(%arg7 : memref<!tpu.dma_semaphore, #tpu.memory_space<semaphore_mem>>)
    %dma_wait3A = arith.constant 0 : i32
    %dma_wait3A_5 = arith.constant 0 : i32
    %dma_wait3A_6 = tpu.memref_slice %arg2[%dma_wait3A, %dma_wait3A_5] : memref<1000000x32xf32, #tpu.memory_space<hbm>> -> memref<1000000x32xf32, #tpu.memory_space<hbm>>
    tpu.wait_indirect_dma semaphore(%arg7 : memref<!tpu.dma_semaphore, #tpu.memory_space<semaphore_mem>>) src(%dma_wait3A_6 : memref<1000000x32xf32, #tpu.memory_space<hbm>>) dst(%arg6 : memref<1568x32xf32, #tpu.memory_space<vmem>>)
    "tpu.region"() ({
      %run_scoped3A = tpu.sem_alloc : memref<!tpu.dma_semaphore, #tpu.memory_space<semaphore_mem>>
      %dma_start3A_7 = arith.constant 0 : i32
      %dma_start3A_8 = tpu.memref_slice %arg4[%mul3A_2, %dma_start3A_7] : memref<50176x32xf32, #tpu.memory_space<hbm>> -> memref<1568x32xf32, #tpu.memory_space<hbm>>
      %dma_start3A_9 = arith.constant 0 : i32
      %dma_start3A_10 = tpu.memref_slice %arg4[%mul3A_2, %dma_start3A_9] : memref<50176x32xf32, #tpu.memory_space<hbm>> -> memref<1568x32xf32, #tpu.memory_space<hbm>>
      tpu.enqueue_dma source(%arg6 : memref<1568x32xf32, #tpu.memory_space<vmem>>) target(%dma_start3A_10 : memref<1568x32xf32, #tpu.memory_space<hbm>>) target_semaphore(%run_scoped3A : memref<!tpu.dma_semaphore, #tpu.memory_space<semaphore_mem>>)
      %dma_wait3A_11 = arith.constant 0 : i32
      %dma_wait3A_12 = tpu.memref_slice %arg4[%mul3A_2, %dma_wait3A_11] : memref<50176x32xf32, #tpu.memory_space<hbm>> -> memref<1568x32xf32, #tpu.memory_space<hbm>>
      %dma_wait3A_13 = arith.constant 0 : i32
      %dma_wait3A_14 = tpu.memref_slice %arg4[%mul3A_2, %dma_wait3A_13] : memref<50176x32xf32, #tpu.memory_space<hbm>> -> memref<1568x32xf32, #tpu.memory_space<hbm>>
      tpu.wait_dma2 semaphore(%run_scoped3A : memref<!tpu.dma_semaphore, #tpu.memory_space<semaphore_mem>>) src(%arg6 : memref<1568x32xf32, #tpu.memory_space<vmem>>) dst(%dma_wait3A_14 : memref<1568x32xf32, #tpu.memory_space<hbm>>)
      tpu.yield
    }) : () -> ()
    return
  }
}

module attributes {stable_mosaic.version = 14 : i64} {
  func.func @_prep_body(%arg0: i32, %arg1: memref<512x32xf32, #tpu.memory_space<vmem>>, %arg2: memref<32x64xf32, #tpu.memory_space<vmem>>, %arg3: memref<64x8xf32, #tpu.memory_space<vmem>>, %arg4: memref<64x8xf32, #tpu.memory_space<vmem>>, %arg5: memref<512x64xf32, #tpu.memory_space<vmem>>, %arg6: memref<512x64xf32, #tpu.memory_space<vmem>>, %arg7: memref<512x16xf32, #tpu.memory_space<vmem>>) attributes {dimension_semantics = [#tpu.dimension_semantics<arbitrary>], iteration_bounds = array<i64: 98>, scalar_prefetch = 0 : i64, scratch_operands = 0 : i64, tpu.core_type = #tpu.core_type<tc>, window_params = [{transform_indices = @transform_0, window_bounds = array<i64: 512, 32>}, {pipeline_mode = #tpu.pipeline_mode<synchronous>, transform_indices = @transform_1, window_bounds = array<i64: 32, 64>}, {pipeline_mode = #tpu.pipeline_mode<synchronous>, transform_indices = @transform_2, window_bounds = array<i64: 64, 8>}, {pipeline_mode = #tpu.pipeline_mode<synchronous>, transform_indices = @transform_3, window_bounds = array<i64: 64, 8>}, {transform_indices = @transform_4, window_bounds = array<i64: 512, 64>}, {transform_indices = @transform_5, window_bounds = array<i64: 512, 64>}, {transform_indices = @transform_6, window_bounds = array<i64: 512, 16>}]} {
    %get3A = arith.constant 0 : index
    %get3A_0 = arith.constant 0 : index
    %get3A_1 = vector.load %arg1[%get3A, %get3A_0] : memref<512x32xf32, #tpu.memory_space<vmem>>, vector<512x32xf32>
    %get3A_2 = arith.constant 0 : index
    %get3A_3 = arith.constant 0 : index
    %get3A_4 = vector.load %arg2[%get3A_2, %get3A_3] : memref<32x64xf32, #tpu.memory_space<vmem>>, vector<32x64xf32>
    %dot_general3A = arith.constant dense<0.000000e+00> : vector<512x64xf32>
    %dot_general3A_5 = tpu.matmul %get3A_1, %get3A_4, %dot_general3A {dimension_numbers = #tpu.dot_dimension_numbers<[1], [0], [0], [1], [0, 0, 1, 1], [], []>, transpose_lhs_hint = false} : vector<512x32xf32>, vector<32x64xf32>, vector<512x64xf32> -> vector<512x64xf32>
    %get3A_6 = arith.constant 0 : index
    %get3A_7 = arith.constant 0 : index
    %get3A_8 = vector.load %arg3[%get3A_6, %get3A_7] : memref<64x8xf32, #tpu.memory_space<vmem>>, vector<64x8xf32>
    %dot_general3A_9 = arith.constant dense<0.000000e+00> : vector<512x8xf32>
    %dot_general3A_10 = tpu.matmul %dot_general3A_5, %get3A_8, %dot_general3A_9 {dimension_numbers = #tpu.dot_dimension_numbers<[1], [0], [0], [1], [0, 0, 1, 1], [], []>, transpose_lhs_hint = false} : vector<512x64xf32>, vector<64x8xf32>, vector<512x8xf32> -> vector<512x8xf32>
    %get3A_11 = arith.constant 0 : index
    %get3A_12 = arith.constant 0 : index
    %get3A_13 = vector.load %arg4[%get3A_11, %get3A_12] : memref<64x8xf32, #tpu.memory_space<vmem>>, vector<64x8xf32>
    %dot_general3A_14 = arith.constant dense<0.000000e+00> : vector<512x8xf32>
    %dot_general3A_15 = tpu.matmul %dot_general3A_5, %get3A_13, %dot_general3A_14 {dimension_numbers = #tpu.dot_dimension_numbers<[1], [0], [0], [1], [0, 0, 1, 1], [], []>, transpose_lhs_hint = false} : vector<512x64xf32>, vector<64x8xf32>, vector<512x8xf32> -> vector<512x8xf32>
    %broadcast_in_dim3A = arith.constant 0.000000e+00 : f32
    %broadcast_in_dim3A_16 = vector.broadcast %broadcast_in_dim3A : f32 to vector<512x8xf32>
    %broadcast_in_dim3A_17 = arith.constant 0.000000e+00 : f32
    %broadcast_in_dim3A_18 = vector.broadcast %broadcast_in_dim3A_17 : f32 to vector<512x16xf32>
    %slice3A = vector.extract_strided_slice %dot_general3A_5 {offsets = [0, 0], sizes = [512, 32], strides = [1, 1]} : vector<512x64xf32> to vector<512x32xf32>
    %concatenate3A = tpu.concatenate %dot_general3A_10, %broadcast_in_dim3A_16, %slice3A, %broadcast_in_dim3A_18 in 1 : vector<512x8xf32>, vector<512x8xf32>, vector<512x32xf32>, vector<512x16xf32> -> vector<512x64xf32>
    %swap3A = arith.constant 0 : index
    %swap3A_19 = arith.constant 0 : index
    %swap3A_20 = vector.load %arg5[%swap3A, %swap3A_19] : memref<512x64xf32, #tpu.memory_space<vmem>>, vector<512x64xf32>
    tpu.vector_store %arg5[%swap3A, %swap3A_19], %concatenate3A {strides = array<i32>} : memref<512x64xf32, #tpu.memory_space<vmem>>, vector<512x64xf32>,
    %slice3A_21 = vector.extract_strided_slice %dot_general3A_5 {offsets = [0, 32], sizes = [512, 32], strides = [1, 1]} : vector<512x64xf32> to vector<512x32xf32>
    %concatenate3A_22 = tpu.concatenate %dot_general3A_10, %broadcast_in_dim3A_16, %slice3A_21, %broadcast_in_dim3A_18 in 1 : vector<512x8xf32>, vector<512x8xf32>, vector<512x32xf32>, vector<512x16xf32> -> vector<512x64xf32>
    %swap3A_23 = arith.constant 0 : index
    %swap3A_24 = arith.constant 0 : index
    %swap3A_25 = vector.load %arg6[%swap3A_23, %swap3A_24] : memref<512x64xf32, #tpu.memory_space<vmem>>, vector<512x64xf32>
    tpu.vector_store %arg6[%swap3A_23, %swap3A_24], %concatenate3A_22 {strides = array<i32>} : memref<512x64xf32, #tpu.memory_space<vmem>>, vector<512x64xf32>,
    %concatenate3A_26 = tpu.concatenate %dot_general3A_15, %broadcast_in_dim3A_16 in 1 : vector<512x8xf32>, vector<512x8xf32> -> vector<512x16xf32>
    %swap3A_27 = arith.constant 0 : index
    %swap3A_28 = arith.constant 0 : index
    %swap3A_29 = vector.load %arg7[%swap3A_27, %swap3A_28] : memref<512x16xf32, #tpu.memory_space<vmem>>, vector<512x16xf32>
    tpu.vector_store %arg7[%swap3A_27, %swap3A_28], %concatenate3A_26 {strides = array<i32>} : memref<512x16xf32, #tpu.memory_space<vmem>>, vector<512x16xf32>,
    return
  }
  func.func @transform_0(%arg0: i32) -> (i32, i32) {
    %c0_i32 = arith.constant 0 : i32
    %c0_i32_0 = arith.constant 0 : i32
    return %arg0, %c0_i32 : i32, i32
  }
  func.func @transform_1(%arg0: i32) -> (i32, i32) {
    %c0_i32 = arith.constant 0 : i32
    %c0_i32_0 = arith.constant 0 : i32
    %c0_i32_1 = arith.constant 0 : i32
    return %c0_i32, %c0_i32_0 : i32, i32
  }
  func.func @transform_2(%arg0: i32) -> (i32, i32) {
    %c0_i32 = arith.constant 0 : i32
    %c0_i32_0 = arith.constant 0 : i32
    %c0_i32_1 = arith.constant 0 : i32
    return %c0_i32, %c0_i32_0 : i32, i32
  }
  func.func @transform_3(%arg0: i32) -> (i32, i32) {
    %c0_i32 = arith.constant 0 : i32
    %c0_i32_0 = arith.constant 0 : i32
    %c0_i32_1 = arith.constant 0 : i32
    return %c0_i32, %c0_i32_0 : i32, i32
  }
  func.func @transform_4(%arg0: i32) -> (i32, i32) {
    %c0_i32 = arith.constant 0 : i32
    %c0_i32_0 = arith.constant 0 : i32
    return %arg0, %c0_i32 : i32, i32
  }
  func.func @transform_5(%arg0: i32) -> (i32, i32) {
    %c0_i32 = arith.constant 0 : i32
    %c0_i32_0 = arith.constant 0 : i32
    return %arg0, %c0_i32 : i32, i32
  }
  func.func @transform_6(%arg0: i32) -> (i32, i32) {
    %c0_i32 = arith.constant 0 : i32
    %c0_i32_0 = arith.constant 0 : i32
    return %arg0, %c0_i32 : i32, i32
  }
}

module attributes {stable_mosaic.version = 14 : i64} {
  func.func @_head_body(%arg0: i32, %arg1: memref<400x8xf32, #tpu.memory_space<vmem>>, %arg2: memref<400x64xf32, #tpu.memory_space<vmem>>, %arg3: memref<8x64xf32, #tpu.memory_space<vmem>>, %arg4: memref<64x64xf32, #tpu.memory_space<vmem>>, %arg5: memref<1x64xf32, #tpu.memory_space<vmem>>, %arg6: memref<64x2xf32, #tpu.memory_space<vmem>>, %arg7: memref<1x2xf32, #tpu.memory_space<vmem>>, %arg8: memref<1x64xf32, #tpu.memory_space<vmem>>, %arg9: memref<1x2xf32, #tpu.memory_space<vmem>>) attributes {dimension_semantics = [#tpu.dimension_semantics<arbitrary>], iteration_bounds = array<i64: 125>, scalar_prefetch = 0 : i64, scratch_operands = 0 : i64, tpu.core_type = #tpu.core_type<tc>, window_params = [{transform_indices = @transform_0, window_bounds = array<i64: 400, 8>}, {transform_indices = @transform_1, window_bounds = array<i64: 400, 64>}, {pipeline_mode = #tpu.pipeline_mode<synchronous>, transform_indices = @transform_2, window_bounds = array<i64: 8, 64>}, {pipeline_mode = #tpu.pipeline_mode<synchronous>, transform_indices = @transform_3, window_bounds = array<i64: 64, 64>}, {pipeline_mode = #tpu.pipeline_mode<synchronous>, transform_indices = @transform_4, window_bounds = array<i64: 1, 64>}, {pipeline_mode = #tpu.pipeline_mode<synchronous>, transform_indices = @transform_5, window_bounds = array<i64: 64, 2>}, {pipeline_mode = #tpu.pipeline_mode<synchronous>, transform_indices = @transform_6, window_bounds = array<i64: 1, 2>}, {pipeline_mode = #tpu.pipeline_mode<synchronous>, transform_indices = @transform_7, window_bounds = array<i64: 1, 64>}, {pipeline_mode = #tpu.pipeline_mode<synchronous>, transform_indices = @transform_8, window_bounds = array<i64: 1, 2>}]} {
    %get3A = arith.constant 0 : index
    %get3A_0 = arith.constant 0 : index
    %get3A_1 = vector.load %arg1[%get3A, %get3A_0] : memref<400x8xf32, #tpu.memory_space<vmem>>, vector<400x8xf32>
    %add3A = arith.constant 1.000000e-16 : f32
    %add3A_2 = vector.broadcast %add3A : f32 to vector<400x8xf32>
    %add3A_3 = arith.addf %get3A_1, %add3A_2 : vector<400x8xf32>
    %get3A_4 = arith.constant 0 : index
    %get3A_5 = arith.constant 0 : index
    %get3A_6 = vector.load %arg3[%get3A_4, %get3A_5] : memref<8x64xf32, #tpu.memory_space<vmem>>, vector<8x64xf32>
    %dot_general3A = arith.constant dense<0.000000e+00> : vector<400x64xf32>
    %dot_general3A_7 = tpu.matmul %add3A_3, %get3A_6, %dot_general3A {dimension_numbers = #tpu.dot_dimension_numbers<[1], [0], [0], [1], [0, 0, 1, 1], [], []>, transpose_lhs_hint = false} : vector<400x8xf32>, vector<8x64xf32>, vector<400x64xf32> -> vector<400x64xf32>
    %get3A_8 = arith.constant 0 : index
    %get3A_9 = arith.constant 0 : index
    %get3A_10 = vector.load %arg2[%get3A_8, %get3A_9] : memref<400x64xf32, #tpu.memory_space<vmem>>, vector<400x64xf32>
    %div3A = arith.divf %get3A_10, %dot_general3A_7 : vector<400x64xf32>
    %gt3A = arith.constant 0.000000e+00 : f32
    %gt3A_11 = vector.broadcast %gt3A : f32 to vector<400x64xf32>
    %gt3A_12 = arith.cmpf ogt, %div3A, %gt3A_11 : vector<400x64xf32>
    %min3A = arith.constant 0.000000e+00 : f32
    %min3A_13 = vector.broadcast %min3A : f32 to vector<400x64xf32>
    %min3A_14 = arith.minimumf %div3A, %min3A_13 : vector<400x64xf32>
    %exp3A = math.exp %min3A_14 : vector<400x64xf32>
    %sub3A = arith.constant 1.000000e+00 : f32
    %sub3A_15 = vector.broadcast %sub3A : f32 to vector<400x64xf32>
    %sub3A_16 = arith.subf %exp3A, %sub3A_15 : vector<400x64xf32>
    %select_n3A = arith.select %gt3A_12, %div3A, %sub3A_16 : vector<400x64xi1>, vector<400x64xf32>
    %get3A_17 = arith.constant 0 : index
    %get3A_18 = arith.constant 0 : index
    %get3A_19 = vector.load %arg4[%get3A_17, %get3A_18] : memref<64x64xf32, #tpu.memory_space<vmem>>, vector<64x64xf32>
    %dot_general3A_20 = arith.constant dense<0.000000e+00> : vector<400x64xf32>
    %dot_general3A_21 = tpu.matmul %select_n3A, %get3A_19, %dot_general3A_20 {dimension_numbers = #tpu.dot_dimension_numbers<[1], [0], [0], [1], [0, 0, 1, 1], [], []>, transpose_lhs_hint = false} : vector<400x64xf32>, vector<64x64xf32>, vector<400x64xf32> -> vector<400x64xf32>
    %get3A_22 = arith.constant 0 : index
    %get3A_23 = arith.constant 0 : index
    %get3A_24 = vector.load %arg5[%get3A_22, %get3A_23] : memref<1x64xf32, #tpu.memory_space<vmem>>, vector<1x64xf32>
    %add3A_25 = vector.broadcast %get3A_24 : vector<1x64xf32> to vector<400x64xf32>
    %add3A_26 = arith.addf %dot_general3A_21, %add3A_25 : vector<400x64xf32>
    %gt3A_27 = arith.constant 0.000000e+00 : f32
    %gt3A_28 = vector.broadcast %gt3A_27 : f32 to vector<400x64xf32>
    %gt3A_29 = arith.cmpf ogt, %add3A_26, %gt3A_28 : vector<400x64xf32>
    %min3A_30 = arith.constant 0.000000e+00 : f32
    %min3A_31 = vector.broadcast %min3A_30 : f32 to vector<400x64xf32>
    %min3A_32 = arith.minimumf %add3A_26, %min3A_31 : vector<400x64xf32>
    %exp3A_33 = math.exp %min3A_32 : vector<400x64xf32>
    %sub3A_34 = arith.constant 1.000000e+00 : f32
    %sub3A_35 = vector.broadcast %sub3A_34 : f32 to vector<400x64xf32>
    %sub3A_36 = arith.subf %exp3A_33, %sub3A_35 : vector<400x64xf32>
    %select_n3A_37 = arith.select %gt3A_29, %add3A_26, %sub3A_36 : vector<400x64xi1>, vector<400x64xf32>
    %eq3A = arith.constant 0 : i32
    %eq3A_38 = arith.cmpi eq, %arg0, %eq3A : i32
    %convert_element_type3A = arith.extui %eq3A_38 : i1 to i32
    %cond3A = arith.constant 0 : i32
    %cond3A_39 = arith.cmpi ne, %convert_element_type3A, %cond3A : i32
    scf.if %cond3A_39 {
      %broadcast_in_dim3A_52 = arith.constant 0.000000e+00 : f32
      %broadcast_in_dim3A_53 = vector.broadcast %broadcast_in_dim3A_52 : f32 to vector<1x64xf32>
      %swap3A_54 = arith.constant 0 : index
      %swap3A_55 = arith.constant 0 : index
      %swap3A_56 = vector.load %arg8[%swap3A_54, %swap3A_55] : memref<1x64xf32, #tpu.memory_space<vmem>>, vector<1x64xf32>
      tpu.vector_store %arg8[%swap3A_54, %swap3A_55], %broadcast_in_dim3A_53 {strides = array<i32>} : memref<1x64xf32, #tpu.memory_space<vmem>>, vector<1x64xf32>,
      %broadcast_in_dim3A_57 = arith.constant 0.000000e+00 : f32
      %broadcast_in_dim3A_58 = vector.broadcast %broadcast_in_dim3A_57 : f32 to vector<1x2xf32>
      %swap3A_59 = arith.constant 0 : index
      %swap3A_60 = arith.constant 0 : index
      %swap3A_61 = vector.load %arg9[%swap3A_59, %swap3A_60] : memref<1x2xf32, #tpu.memory_space<vmem>>, vector<1x2xf32>
      tpu.vector_store %arg9[%swap3A_59, %swap3A_60], %broadcast_in_dim3A_58 {strides = array<i32>} : memref<1x2xf32, #tpu.memory_space<vmem>>, vector<1x2xf32>,
    } else {
    }
    %get3A_40 = arith.constant 0 : index
    %get3A_41 = arith.constant 0 : index
    %get3A_42 = vector.load %arg8[%get3A_40, %get3A_41] : memref<1x64xf32, #tpu.memory_space<vmem>>, vector<1x64xf32>
    %reduce_sum3A = arith.constant dense<0.000000e+00> : vector<64xf32>
    %reduce_sum3A_43 = vector.multi_reduction <add>, %select_n3A_37, %reduce_sum3A [0] : vector<400x64xf32> to vector<64xf32>
    %broadcast_in_dim3A = vector.shape_cast %reduce_sum3A_43 : vector<64xf32> to vector<1x64xf32>
    %add3A_44 = arith.addf %get3A_42, %broadcast_in_dim3A : vector<1x64xf32>
    %swap3A = arith.constant 0 : index
    %swap3A_45 = arith.constant 0 : index
    %swap3A_46 = vector.load %arg8[%swap3A, %swap3A_45] : memref<1x64xf32, #tpu.memory_space<vmem>>, vector<1x64xf32>
    tpu.vector_store %arg8[%swap3A, %swap3A_45], %add3A_44 {strides = array<i32>} : memref<1x64xf32, #tpu.memory_space<vmem>>, vector<1x64xf32>,
    %eq3A_47 = arith.constant 124 : i32
    %eq3A_48 = arith.cmpi eq, %arg0, %eq3A_47 : i32
    %convert_element_type3A_49 = arith.extui %eq3A_48 : i1 to i32
    %cond3A_50 = arith.constant 0 : i32
    %cond3A_51 = arith.cmpi ne, %convert_element_type3A_49, %cond3A_50 : i32
    scf.if %cond3A_51 {
      %get3A_52 = arith.constant 0 : index
      %get3A_53 = arith.constant 0 : index
      %get3A_54 = vector.load %arg8[%get3A_52, %get3A_53] : memref<1x64xf32, #tpu.memory_space<vmem>>, vector<1x64xf32>
      %div3A_55 = arith.constant 5.000000e+04 : f32
      %div3A_56 = vector.broadcast %div3A_55 : f32 to vector<1x64xf32>
      %div3A_57 = arith.divf %get3A_54, %div3A_56 : vector<1x64xf32>
      %swap3A_58 = arith.constant 0 : index
      %swap3A_59 = arith.constant 0 : index
      %swap3A_60 = vector.load %arg8[%swap3A_58, %swap3A_59] : memref<1x64xf32, #tpu.memory_space<vmem>>, vector<1x64xf32>
      tpu.vector_store %arg8[%swap3A_58, %swap3A_59], %div3A_57 {strides = array<i32>} : memref<1x64xf32, #tpu.memory_space<vmem>>, vector<1x64xf32>,
      %get3A_61 = arith.constant 0 : index
      %get3A_62 = arith.constant 0 : index
      %get3A_63 = vector.load %arg6[%get3A_61, %get3A_62] : memref<64x2xf32, #tpu.memory_space<vmem>>, vector<64x2xf32>
      %dot_general3A_64 = arith.constant dense<0.000000e+00> : vector<1x2xf32>
      %dot_general3A_65 = tpu.matmul %div3A_57, %get3A_63, %dot_general3A_64 {dimension_numbers = #tpu.dot_dimension_numbers<[1], [0], [0], [1], [0, 0, 1, 1], [], []>, transpose_lhs_hint = false} : vector<1x64xf32>, vector<64x2xf32>, vector<1x2xf32> -> vector<1x2xf32>
      %get3A_66 = arith.constant 0 : index
      %get3A_67 = arith.constant 0 : index
      %get3A_68 = vector.load %arg7[%get3A_66, %get3A_67] : memref<1x2xf32, #tpu.memory_space<vmem>>, vector<1x2xf32>
      %add3A_69 = arith.addf %dot_general3A_65, %get3A_68 : vector<1x2xf32>
      %swap3A_70 = arith.constant 0 : index
      %swap3A_71 = arith.constant 0 : index
      %swap3A_72 = vector.load %arg9[%swap3A_70, %swap3A_71] : memref<1x2xf32, #tpu.memory_space<vmem>>, vector<1x2xf32>
      tpu.vector_store %arg9[%swap3A_70, %swap3A_71], %add3A_69 {strides = array<i32>} : memref<1x2xf32, #tpu.memory_space<vmem>>, vector<1x2xf32>,
    } else {
    }
    return
  }
  func.func @transform_0(%arg0: i32) -> (i32, i32) {
    %c0_i32 = arith.constant 0 : i32
    %c0_i32_0 = arith.constant 0 : i32
    return %arg0, %c0_i32 : i32, i32
  }
  func.func @transform_1(%arg0: i32) -> (i32, i32) {
    %c0_i32 = arith.constant 0 : i32
    %c0_i32_0 = arith.constant 0 : i32
    return %arg0, %c0_i32 : i32, i32
  }
  func.func @transform_2(%arg0: i32) -> (i32, i32) {
    %c0_i32 = arith.constant 0 : i32
    %c0_i32_0 = arith.constant 0 : i32
    %c0_i32_1 = arith.constant 0 : i32
    return %c0_i32, %c0_i32_0 : i32, i32
  }
  func.func @transform_3(%arg0: i32) -> (i32, i32) {
    %c0_i32 = arith.constant 0 : i32
    %c0_i32_0 = arith.constant 0 : i32
    %c0_i32_1 = arith.constant 0 : i32
    return %c0_i32, %c0_i32_0 : i32, i32
  }
  func.func @transform_4(%arg0: i32) -> (i32, i32) {
    %c0_i32 = arith.constant 0 : i32
    %c0_i32_0 = arith.constant 0 : i32
    %c0_i32_1 = arith.constant 0 : i32
    return %c0_i32, %c0_i32_0 : i32, i32
  }
  func.func @transform_5(%arg0: i32) -> (i32, i32) {
    %c0_i32 = arith.constant 0 : i32
    %c0_i32_0 = arith.constant 0 : i32
    %c0_i32_1 = arith.constant 0 : i32
    return %c0_i32, %c0_i32_0 : i32, i32
  }
  func.func @transform_6(%arg0: i32) -> (i32, i32) {
    %c0_i32 = arith.constant 0 : i32
    %c0_i32_0 = arith.constant 0 : i32
    %c0_i32_1 = arith.constant 0 : i32
    return %c0_i32, %c0_i32_0 : i32, i32
  }
  func.func @transform_7(%arg0: i32) -> (i32, i32) {
    %c0_i32 = arith.constant 0 : i32
    %c0_i32_0 = arith.constant 0 : i32
    %c0_i32_1 = arith.constant 0 : i32
    return %c0_i32, %c0_i32_0 : i32, i32
  }
  func.func @transform_8(%arg0: i32) -> (i32, i32) {
    %c0_i32 = arith.constant 0 : i32
    %c0_i32_0 = arith.constant 0 : i32
    %c0_i32_1 = arith.constant 0 : i32
    return %c0_i32, %c0_i32_0 : i32, i32
  }
}

</mosaic_0001>

<sc_bundles>
// kernel: _forward.6.cloned.1.call-start
scs
__scs_entry_jumppad:
0x0: {  	(pc) =	sbr.rel $0x88, $3  }
0x1: {  	(tag) =	ssettag $0x0;
	lr =	simm.s32 $0x1  }
0x2: {  	[smem:$0x3F97] =	sst lr;
	_ =	strace $0xD0000000  }
0x3: {  	_ = 	snop  }
0x4: {  	_ = 	snop  }
0x5: {  	_ = 	snop  }
0x6: {  	_ = 	snop  }
0x7: {  	_ = 	snop  }
__scs_overlays_trampoline_lowered:
0x8: {  	[smem:$0x3FA6] =	sst s0  }
0x9: {  	[smem:$0x3FA7] =	sst s1  }
0xa: {  	[smem:$0x3FA8] =	sst s2  }
0xb: {  	[smem:$0x3FA9] =	sst s3  }
0xc: {  	[smem:$0x3FAA] =	sst s4  }
0xd: {  	[smem:$0x3FAB] =	sst s5  }
0xe: {  	[smem:$0x3FAC] =	sst s6  }
0xf: {  	[smem:$0x3FAD] =	sst s7  }
0x10: {  	[smem:$0x3FAE] =	sst s8  }
0x11: {  	[smem:$0x3FAF] =	sst s9;
	s0 =	simm.s32 @!p0 $0x0  }
0x12: {  	s1 =	sld [smem:$0x3F95];
	s0 =	simm.s32 @p0 $0x1  }
0x13: {  	[smem:$0x3FB0] =	sst s0;
	s0 =	simm.s32 @!p1 $0x0  }
0x14: {  	s2 =	sld [smem:$0x3F94];
	s0 =	simm.s32 @p1 $0x1  }
0x15: {  	[smem:$0x3FB1] =	sst s0;
	s0 =	simm.s32 @!p2 $0x0  }
0x16: {  	s3 =	sld [smem:$0x3FDB];
	s0 =	simm.s32 @p2 $0x1  }
0x17: {  	s4 =	simm.s32 $0x1BF5;
	[smem:$0x3FB3] =	sst s0  }
0x18: {  	s0 =	sld [smem:$0x3F96];
	_ =	swait.ge [sflag:s4], $0x0  }
0x19: {  	s7 =	sld [smem:$0x3F97]  }
0x1a: {  	s8 =	sadd.s32 $0xFFFFE003, lr  }
0x1b: {  	s9 =	sadd.s32 $0xFFFFFEF7, lr;
	s5 =	simm.s32 $0xFFFFFFFF;
	p2 =	slt.u32 s8, $0xFFFFF086  }
0x1c: {  	p1 =	slt.u32 s9, $0xF7A;
	s5 =	simm.s32 @!p2 $0x0  }
0x1d: {  	s5 =	simm.s32 @p1 $0x1;
	p0 =	seq.s32 s7, s2  }
0x1e: {  	s7 =	smul.u32 @!p0 $0xF7A, s2;
	p2 =	seq.s32 @!p0 s5, $0x0  }
0x1f: {  	s9 =	smul.u32 $0xF7A, s1;
	s8 =	simm.s32 @!p0 $0x1BF5;
	p2 =	por !p2, p0  }
0x20: {  	[sflag:s8] =	ssyncset.s32 @!p0 $0xFFFFF086;
	s6 =	sadd.s32 @!p0 s3, s7;
	s7 =	simm.s32 @!p0 $0x108  }
0x21: {  	s3 =	sadd.s32 s3, s9;
	s6 =	sadd.s32 @!p0 $0x88, s6;
	s7 =	simm.s32 @p2 $0x1082  }
0x22: {  	[simem:s7], [sflag:s8] =	dma.local @!p0 [hbm:s6], $0xF7A  }
0x23: {  	s9 =	sor.u32 $0xD0000000, s2;
	s6 =	simm.s32 $0x108;
	_ =	swait.ge @!p0 [sflag:s8], $0x0  }
0x24: {  	s3 =	sadd.s32 $0x88, s3;
	s6 =	simm.s32 @!p1 $0x1082;
	[sflag:s4] =	ssyncset.s32 $0xFFFFF086  }
0x25: {  	[simem:s6], [sflag:s4] =	dma.local [hbm:s3], $0xF7A  }
0x26: {  	[smem:$0x3F97] =	sst s1;
	(tag) =	ssettag s2;
	_ =	strace s9  }
0x27: {  	s1 =	sld [smem:$0x3FA7]  }
0x28: {  	s2 =	sld [smem:$0x3FA8]  }
0x29: {  	s4 =	sld [smem:$0x3FAA]  }
0x2a: {  	p0 =	seq.s32 s5, $0x0;
	s5 =	sld [smem:$0x3FAB]  }
0x2b: {  	s6 =	sld [smem:$0x3FAC]  }
0x2c: {  	s7 =	sld [smem:$0x3FAD]  }
0x2d: {  	s3 =	simm.s32 $0x108;
	s8 =	sld [smem:$0x3FAE]  }
0x2e: {  	s3 =	simm.s32 @!p0 $0x1082;
	s9 =	sld [smem:$0x3FAF]  }
0x2f: {  	lr =	sadd.s32 s0, s3;
	s0 =	sld [smem:$0x3FA6]  }
0x30: {  	s3 =	sld [smem:$0x3FA9]  }
0x31: {  	[smem:$0x3FB2] =	sst s10  }
0x32: {  	s10 =	sld [smem:$0x3FB0];
	_ =	sdelay $0x3  }
0x33: {  	p0 =	seq.s32 s10, $0x1;
	s10 =	sld [smem:$0x3FB2];
	_ =	sdelay $0x3  }
0x34: {  	[smem:$0x3FB2] =	sst s10  }
0x35: {  	s10 =	sld [smem:$0x3FB1];
	_ =	sdelay $0x3  }
0x36: {  	p1 =	seq.s32 s10, $0x1;
	s10 =	sld [smem:$0x3FB2];
	_ =	sdelay $0x3  }
0x37: {  	[smem:$0x3FB2] =	sst s10  }
0x38: {  	s10 =	sld [smem:$0x3FB3]  }
0x39: {  	_ = 	snop;
	(pc) =	sbr.ind lr, $3  }
0x3a: {  	_ = 	snop  }
0x3b: {  	_ = 	snop  }
0x3c: {  	p2 =	seq.s32 s10, $0x1;
	s10 =	sld [smem:$0x3FB2]  }
0x3d: {  	_ =	shalt  }
0x3e: {  	_ =	shalt  }
0x3f: {  	_ =	shalt  }
0x40: {  	_ =	shalt  }
0x41: {  	_ =	shalt  }
0x42: {  	_ =	shalt  }
0x43: {  	_ =	shalt  }
0x44: {  	_ =	shalt  }
0x45: {  	_ =	shalt  }
0x46: {  	_ =	shalt  }
0x47: {  	_ =	shalt  }
0x48: {  	_ =	shalt  }
0x49: {  	_ =	shalt  }
0x4a: {  	_ =	shalt  }
0x4b: {  	_ =	shalt  }
0x4c: {  	_ =	shalt  }
0x4d: {  	_ =	shalt  }
0x4e: {  	_ =	shalt  }
0x4f: {  	_ =	shalt  }
0x50: {  	_ =	shalt  }
0x51: {  	_ =	shalt  }
0x52: {  	_ =	shalt  }
0x53: {  	_ =	shalt  }
0x54: {  	_ =	shalt  }
0x55: {  	_ =	shalt  }
0x56: {  	_ =	shalt  }
0x57: {  	_ =	shalt  }
0x58: {  	_ =	shalt  }
0x59: {  	_ =	shalt  }
0x5a: {  	_ =	shalt  }
0x5b: {  	_ =	shalt  }
0x5c: {  	_ =	shalt  }
0x5d: {  	_ =	shalt  }
0x5e: {  	_ =	shalt  }
0x5f: {  	_ =	shalt  }
0x60: {  	_ =	shalt  }
0x61: {  	_ =	shalt  }
0x62: {  	_ =	shalt  }
0x63: {  	_ =	shalt  }
0x64: {  	_ =	shalt  }
0x65: {  	_ =	shalt  }
0x66: {  	_ =	shalt  }
0x67: {  	_ =	shalt  }
0x68: {  	_ =	shalt  }
0x69: {  	_ =	shalt  }
0x6a: {  	_ =	shalt  }
0x6b: {  	_ =	shalt  }
0x6c: {  	_ =	shalt  }
0x6d: {  	_ =	shalt  }
0x6e: {  	_ =	shalt  }
0x6f: {  	_ =	shalt  }
0x70: {  	_ =	shalt  }
0x71: {  	_ =	shalt  }
0x72: {  	_ =	shalt  }
0x73: {  	_ =	shalt  }
0x74: {  	_ =	shalt  }
0x75: {  	_ =	shalt  }
0x76: {  	_ =	shalt  }
0x77: {  	_ =	shalt  }
0x78: {  	_ =	shalt  }
0x79: {  	_ =	shalt  }
0x7a: {  	_ =	shalt  }
0x7b: {  	_ =	shalt  }
0x7c: {  	_ =	shalt  }
0x7d: {  	_ =	shalt  }
0x7e: {  	_ =	shalt  }
0x7f: {  	_ =	shalt  }
0x80: {  	_ =	shalt  }
0x81: {  	_ =	shalt  }
0x82: {  	_ =	shalt  }
0x83: {  	_ =	shalt  }
0x84: {  	_ =	shalt  }
0x85: {  	_ =	shalt  }
0x86: {  	_ =	shalt  }
0x87: {  	_ =	shalt  }
.Lfunc_end0:
.L_simem_size_0:
called_computation_lowered:
.L_overlay_start_0:
0x88: {  	s2 =	sld [smem:$0x3FD9]  }
0x89: {  	s3 =	sld [smem:$0x3FFE];
	_ =	sdelay $0x1  }
0x8a: {  	s1 =	srdreg.scid  }
0x8b: {  	s0 =	sand.u32 $0x1, s1  }
0x8c: {  	s16 =	sshll.u32 s0, $0xA;
	s2 =	sadd.s32 s3, s2  }
0x8d: {  	s2 =	sadd.s32 s2, s16  }
0x8e: {  	[smem:$0x3FBE] =	sst s2  }
0x8f: {  	_ = 	snop  }
0x90: {  	(tm) =	ssettm $0x1  }
0x91: {  	s17 =	sld [smem:$0x3FFB];
	_ =	sdelay $0x3  }
0x92: {  	_ =	strace s17  }
0x93: {  	s2 =	sld [smem:$0x3FFC];
	_ =	sdelay $0x3  }
0x94: {  	_ =	strace s2  }
0x95: {  	s2 =	sld [smem:$0x3FFD];
	_ =	sdelay $0x3  }
0x96: {  	_ =	strace s2  }
0x97: {  	_ =	strace $0x8FFFFFFF  }
0x98: {  	s18 =	sld [smem:$0x3FDB];
	_ =	sdelay $0x1  }
0x99: {  	s19 =	simm.s32 $_scs_section_size  }
0x9a: {  	s4 =	simm.s32 $_size__tile_overlayer_lowered;
	s5 =	simm.s32 $_tile_overlayer_lowered  }
0x9b: {  	s22 =	simm.s32 $0x1BFF;
	s21 =	sshll.u32 s5, $0x1;
	s2 =	sadd.s32 s19, s18  }
0x9c: {  	s6 =	simm.s32 $0x0;
	s20 =	sshll.u32 s4, $0x1;
	s4 =	sadd.s32 s21, s2  }
0x9d: {  	[timem:s6], [sflag:s22] =	dma.local [hbm:s4], s20  }
0x9e: {  	_ =	swait.ge [sflag:s22], s20  }
0x9f: {  	s3 =	ssub.s32 $0x0, s20;
	[sflag:s22] =	ssyncset.done $0x0  }
0xa0: {  	[sflag:s22] =	ssyncadd.s32 s3;
	_ =	sdelay $0x1  }
0xa1: {  	s23 =	simm.s32 $0x1B8B  }
0xa2: {  	_ =	swait.ge [sflag:s23], $0x1  }
0xa3: {  	[sflag:s23] =	ssyncset.done $0x0  }
0xa4: {  	s25 =	simm.s32 $0x1B8E;
	s24 =	sld [smem:$0x3FFE];
	[sflag:s23] =	ssyncadd.s32 $0xFFFFFFFF  }
0xa5: {  	s26 =	simm.s32 $execute0_lowered;
	[smem:$0x3FD2] =	sst s25  }
0xa6: {  	s4 =	sshll.u32 s26, $0x1;
	_ =	strace $0x80000046;
	[dreg:$0x1] =	wrdreg $0xFFFFFFFF  }
0xa7: {  	s28 =	simm.s32 $_size_execute0_lowered;
	s2 =	sadd.s32 s2, s4;
	[dreg:$0x0] =	wrdreg $0x0  }
0xa8: {  	s4 =	sshll.u32 s28, $0x1;
	[dreg:$0x2] =	wrdreg s2  }
0xa9: {  	[dreg:$0x3] =	wrdreg s4  }
0xaa: {  	[dreg:$0x4] =	wrdreg $0xC0  }
0xab: {  	_ =	task [dreg:s6], $0x5FFFF  }
0xac: {  	[dreg:$0x1] =	wrdreg $0xFFFFFFFF  }
0xad: {  	[dreg:$0x0] =	wrdreg $0x60  }
0xae: {  	[dreg:$0x2] =	wrdreg s24  }
0xaf: {  	[dreg:$0x3] =	wrdreg $0x9  }
0xb0: {  	_ =	task.clear_ibuf [dreg:s6], $0x4FFFF;
	_ =	strace $0x90000046  }
0xb1: {  	s29 =	simm.s32 $0x9;
	_ =	strace $0x80000048  }
0xb2: {  	_ =	swait.ge [sflag:s29], $0x1  }
0xb3: {  	[sflag:s29] =	ssyncadd.s32 $0xFFFFFFFF  }
0xb4: {  	_ =	strace $0x90000048  }
0xb5: {  	_ =	sfence  }
0xb6: {  	s30 =	sld [smem:$0x0];
	_ =	sdelay $0x2  }
0xb7: {  	s31 =	sshll.u32 s1, $0xD;
	s1 =	sshrl.u32 s1, $0x2  }
0xb8: {  	s3 =	sand.u32 $0x4000, s31;
	s1 =	sadd.s32 s1, s30  }
0xb9: {  	s0 =	sor.u32 s3, s0;
	s1 =	sshll.u32 s1, $0x11  }
0xba: {  	s0 =	sor.u32 s1, s0  }
0xbb: {  	s0 =	sadd.s32 $0x8F2B, s0  }
0xbc: {  	[sflag:s0] =	ssyncadd.remote.s32 $0x1  }
0xbd: {  	_ =	sfence.sel $0xFFFF  }
0xbe: {  	[dreg:$0x0] =	wrdreg $0xFFFFFFFF;
	(pc) =	sbr.abs _section_cstart, $3  }
0xbf: {  	[dreg:$0x1] =	wrdreg $0xFFFFFFFF  }
0xc0: {  	_ =	task.clear_ibuf [dreg:s6], $0x2FFFF;
	_ =	strace $0x9FFFFFFF  }
0xc1: {  	(tm) =	ssettm $0x7FFFFFFF  }
tec
execute0_lowered:
.L_overlay_start_1:
0x0: {  	(tag) =	ssettag $0x1  }
0x1: {  	s1 =	srdreg.scid;
	s0 =	stileid.u32  }
0x2: {  	s6 =	sand.u32 $0x1, s1;
	s30 =	sshll.u32 s0, $0x1  }
0x3: {  	s8 =	rddreg [dreg:$0x0];
	s7 =	sor.u32 s6, s30  }
0x4: {  	s2 =	simm.s32 $0x0;
	s1 =	rddreg [dreg:$0x1];
	s3 =	smul.u32 $0xC4, s7  }
0x5: {  	[smem:$0x7FF] =	sst s2;
	s5 =	sadd.s32 $0xF47800, s8  }
0x6: {  	_ =	strace $0x80000047;
	s10 =	ssub.s32 $0x2, s6;
	s3 =	sadd.s32 s3, s8  }
0x7: {  	s6 =	simm.s32 $0x620;
	s4 =	sadd.s32 $0x5400, s3;
	s3 =	simm.s32 $0x2  }
0x8: {  	[tilespmem:s2], [sflag:$0x2] =	stream.linear.gather [hbm4b:s4+s2], $0x620, $0x38;
	[tilespmem:$0xCA20] =	vst v63  }
0x9: {  	s9 =	smul.u32 $0x1880, s7;
	s11 =	sshrl.u32 s10, $0x1;
	_ =	swait.ge [sflag:s3], $0x620  }
0xa: {  	s7 =	simm.s32 $0x1;
	s31 =	ssub.s32 s10, s11;
	[sflag:s3] =	ssyncset.done $0x0  }
0xb: {  	s8 =	sadd.s32 s9, s8;
	s9 =	smax.u32 s31, $0x1;
	[sflag:s3] =	ssyncadd.s32 $0xFFFFF9E0  }
0xc: {  	[tilespmem:s6], [sflag:$0x1] =	stream.indirect.gather [hbm4b:s5+s6], $0x20, s2, s6, $0xb8;
	[tilespmem:$0xCA20] =	vst v63  }
0xd: {  	p0 =	sne.s32 s9, $0x1;
	_ =	swait.ge [sflag:s7], $0xC400  }
.Ltmp0:
0xe: {  	[sflag:s7] =	ssyncset.done $0x0;
	(pc) =	sbr.rel @!p0 .LBB2_2-.Ltmp0, $4  }
0xf: {  	s8 =	sadd.s32 $0x6E00, s8;
	[sflag:s7] =	ssyncadd.s32 $0xFFFF3C00  }
0x10: {  	[hbm4b:s8+s2] =	stream.linear.scatter [tilespmem:s6], [sflag:$0x2], $0xC400, $0x38;
	[tilespmem:$0xCA20] =	vst v63  }
0x11: {  	_ =	swait.ge [sflag:s3], $0xC400  }
0x12: {  	s9 =	sadd.s32 $0xFFFFFFFF, s9;
	[sflag:s3] =	ssyncset.done $0x0  }
.LBB2_1:
0x13: {  	p0 =	sne.s32 s9, $0x1;
	s9 =	sadd.s32 $0xFFFFFFFF, s9;
	[sflag:s3] =	ssyncadd.s32 $0xFFFF3C00  }
0x14: {  	[tilespmem:s2], [sflag:$0x2] =	stream.linear.gather [hbm4b:s4+s2], $0x620, $0x38;
	[tilespmem:$0xCA20] =	vst v63  }
0x15: {  	_ =	swait.ge [sflag:s3], $0x620  }
0x16: {  	[sflag:s3] =	ssyncset.done $0x0  }
0x17: {  	[sflag:s3] =	ssyncadd.s32 $0xFFFFF9E0  }
0x18: {  	[tilespmem:s6], [sflag:$0x1] =	stream.indirect.gather [hbm4b:s5+s6], $0x20, s2, s6, $0xb8;
	[tilespmem:$0xCA20] =	vst v63  }
0x19: {  	_ =	swait.ge [sflag:s7], $0xC400  }
.Ltmp1:
0x1a: {  	[sflag:s7] =	ssyncset.done $0x0;
	(pc) =	sbr.rel @p0 .LBB2_1-.Ltmp1, $4  }
0x1b: {  	[sflag:s7] =	ssyncadd.s32 $0xFFFF3C00  }
0x1c: {  	[hbm4b:s8+s2] =	stream.linear.scatter [tilespmem:s6], [sflag:$0x2], $0xC400, $0x38;
	[tilespmem:$0xCA20] =	vst v63  }
0x1d: {  	_ =	swait.ge [sflag:s3], $0xC400  }
0x1e: {  	[sflag:s3] =	ssyncset.done $0x0  }
.LBB2_2:
0x1f: {  	[sflag:s3] =	ssyncadd.s32 $0xFFFF3C00  }
0x20: {  	_ =	sfence.sel $0x180000  }
0x21: {  	[bflag:$0x0] =	sbarrier.arrive $0xFFFF  }
0x22: {  	p0 =	sne.s32 s0, $0x0;
	_ =	strace $0x90000047  }
0x23: {  	s0 =	sadd.s32 @!p0 $0x100000, s1;
	[bflag:$0x2] =	sbarrier.arrive $0xFFFF  }
0x24: {  	[sflag:s0] =	ssyncadd.tile.s32 @!p0 $0x1;
	_ =	shalt  }
.Lfunc_end2:
_tile_overlayer_lowered:
.L_overlay_start_2:
0x25: {  	(tag) =	ssettag $0x2  }
0x26: {  	s0 =	rddreg [dreg:$0x0];
	s2 =	stileid.u32  }
0x27: {  	s1 =	rddreg [dreg:$0x1];
	p0 =	sne.s32 s2, $0x0  }
0x28: {  	s3 =	rddreg [dreg:$0x2];
	[bflag:$0x3] =	sbarrier.arrive $0xFFFF;
	s2 =	simm.s32 @!p0 $0x1C02  }
0x29: {  	[timem:s3], [sflag:s2] =	dma.local @!p0 [hbm:s0], s1  }
0x2a: {  	s0 =	simm.s32 @!p0 $0x2  }
0x2b: {  	_ =	swait.ge @!p0 [sflag:s0], s1  }
0x2c: {  	s1 =	ssub.s32 @!p0 $0x0, s1;
	[sflag:s0] =	ssyncset.done @!p0 $0x0  }
0x2d: {  	[sflag:s0] =	ssyncadd.s32 @!p0 s1  }
0x2e: {  	[bflag:$0x3] =	sbarrier.arrive $0xFFFF  }
0x2f: {  	_ =	shalt  }

// kernel: _forward.9.cloned.1.call-start
scs
__scs_entry_jumppad:
0x0: {  	(pc) =	sbr.rel $0x88, $3  }
0x1: {  	(tag) =	ssettag $0x0;
	lr =	simm.s32 $0x1  }
0x2: {  	[smem:$0x3F97] =	sst lr;
	_ =	strace $0xD0000000  }
0x3: {  	_ = 	snop  }
0x4: {  	_ = 	snop  }
0x5: {  	_ = 	snop  }
0x6: {  	_ = 	snop  }
0x7: {  	_ = 	snop  }
__scs_overlays_trampoline_lowered:
0x8: {  	[smem:$0x3FA6] =	sst s0  }
0x9: {  	[smem:$0x3FA7] =	sst s1  }
0xa: {  	[smem:$0x3FA8] =	sst s2  }
0xb: {  	[smem:$0x3FA9] =	sst s3  }
0xc: {  	[smem:$0x3FAA] =	sst s4  }
0xd: {  	[smem:$0x3FAB] =	sst s5  }
0xe: {  	[smem:$0x3FAC] =	sst s6  }
0xf: {  	[smem:$0x3FAD] =	sst s7  }
0x10: {  	[smem:$0x3FAE] =	sst s8  }
0x11: {  	[smem:$0x3FAF] =	sst s9;
	s0 =	simm.s32 @!p0 $0x0  }
0x12: {  	s1 =	sld [smem:$0x3F95];
	s0 =	simm.s32 @p0 $0x1  }
0x13: {  	[smem:$0x3FB0] =	sst s0;
	s0 =	simm.s32 @!p1 $0x0  }
0x14: {  	s2 =	sld [smem:$0x3F94];
	s0 =	simm.s32 @p1 $0x1  }
0x15: {  	[smem:$0x3FB1] =	sst s0;
	s0 =	simm.s32 @!p2 $0x0  }
0x16: {  	s3 =	sld [smem:$0x3FDB];
	s0 =	simm.s32 @p2 $0x1  }
0x17: {  	s4 =	simm.s32 $0x1BF5;
	[smem:$0x3FB3] =	sst s0  }
0x18: {  	s0 =	sld [smem:$0x3F96];
	_ =	swait.ge [sflag:s4], $0x0  }
0x19: {  	s7 =	sld [smem:$0x3F97]  }
0x1a: {  	s8 =	sadd.s32 $0xFFFFE003, lr  }
0x1b: {  	s9 =	sadd.s32 $0xFFFFFEF7, lr;
	s5 =	simm.s32 $0xFFFFFFFF;
	p2 =	slt.u32 s8, $0xFFFFF086  }
0x1c: {  	p1 =	slt.u32 s9, $0xF7A;
	s5 =	simm.s32 @!p2 $0x0  }
0x1d: {  	s5 =	simm.s32 @p1 $0x1;
	p0 =	seq.s32 s7, s2  }
0x1e: {  	s7 =	smul.u32 @!p0 $0xF7A, s2;
	p2 =	seq.s32 @!p0 s5, $0x0  }
0x1f: {  	s9 =	smul.u32 $0xF7A, s1;
	s8 =	simm.s32 @!p0 $0x1BF5;
	p2 =	por !p2, p0  }
0x20: {  	[sflag:s8] =	ssyncset.s32 @!p0 $0xFFFFF086;
	s6 =	sadd.s32 @!p0 s3, s7;
	s7 =	simm.s32 @!p0 $0x108  }
0x21: {  	s3 =	sadd.s32 s3, s9;
	s6 =	sadd.s32 @!p0 $0x88, s6;
	s7 =	simm.s32 @p2 $0x1082  }
0x22: {  	[simem:s7], [sflag:s8] =	dma.local @!p0 [hbm:s6], $0xF7A  }
0x23: {  	s9 =	sor.u32 $0xD0000000, s2;
	s6 =	simm.s32 $0x108;
	_ =	swait.ge @!p0 [sflag:s8], $0x0  }
0x24: {  	s3 =	sadd.s32 $0x88, s3;
	s6 =	simm.s32 @!p1 $0x1082;
	[sflag:s4] =	ssyncset.s32 $0xFFFFF086  }
0x25: {  	[simem:s6], [sflag:s4] =	dma.local [hbm:s3], $0xF7A  }
0x26: {  	[smem:$0x3F97] =	sst s1;
	(tag) =	ssettag s2;
	_ =	strace s9  }
0x27: {  	s1 =	sld [smem:$0x3FA7]  }
0x28: {  	s2 =	sld [smem:$0x3FA8]  }
0x29: {  	s4 =	sld [smem:$0x3FAA]  }
0x2a: {  	p0 =	seq.s32 s5, $0x0;
	s5 =	sld [smem:$0x3FAB]  }
0x2b: {  	s6 =	sld [smem:$0x3FAC]  }
0x2c: {  	s7 =	sld [smem:$0x3FAD]  }
0x2d: {  	s3 =	simm.s32 $0x108;
	s8 =	sld [smem:$0x3FAE]  }
0x2e: {  	s3 =	simm.s32 @!p0 $0x1082;
	s9 =	sld [smem:$0x3FAF]  }
0x2f: {  	lr =	sadd.s32 s0, s3;
	s0 =	sld [smem:$0x3FA6]  }
0x30: {  	s3 =	sld [smem:$0x3FA9]  }
0x31: {  	[smem:$0x3FB2] =	sst s10  }
0x32: {  	s10 =	sld [smem:$0x3FB0];
	_ =	sdelay $0x3  }
0x33: {  	p0 =	seq.s32 s10, $0x1;
	s10 =	sld [smem:$0x3FB2];
	_ =	sdelay $0x3  }
0x34: {  	[smem:$0x3FB2] =	sst s10  }
0x35: {  	s10 =	sld [smem:$0x3FB1];
	_ =	sdelay $0x3  }
0x36: {  	p1 =	seq.s32 s10, $0x1;
	s10 =	sld [smem:$0x3FB2];
	_ =	sdelay $0x3  }
0x37: {  	[smem:$0x3FB2] =	sst s10  }
0x38: {  	s10 =	sld [smem:$0x3FB3]  }
0x39: {  	_ = 	snop;
	(pc) =	sbr.ind lr, $3  }
0x3a: {  	_ = 	snop  }
0x3b: {  	_ = 	snop  }
0x3c: {  	p2 =	seq.s32 s10, $0x1;
	s10 =	sld [smem:$0x3FB2]  }
0x3d: {  	_ =	shalt  }
0x3e: {  	_ =	shalt  }
0x3f: {  	_ =	shalt  }
0x40: {  	_ =	shalt  }
0x41: {  	_ =	shalt  }
0x42: {  	_ =	shalt  }
0x43: {  	_ =	shalt  }
0x44: {  	_ =	shalt  }
0x45: {  	_ =	shalt  }
0x46: {  	_ =	shalt  }
0x47: {  	_ =	shalt  }
0x48: {  	_ =	shalt  }
0x49: {  	_ =	shalt  }
0x4a: {  	_ =	shalt  }
0x4b: {  	_ =	shalt  }
0x4c: {  	_ =	shalt  }
0x4d: {  	_ =	shalt  }
0x4e: {  	_ =	shalt  }
0x4f: {  	_ =	shalt  }
0x50: {  	_ =	shalt  }
0x51: {  	_ =	shalt  }
0x52: {  	_ =	shalt  }
0x53: {  	_ =	shalt  }
0x54: {  	_ =	shalt  }
0x55: {  	_ =	shalt  }
0x56: {  	_ =	shalt  }
0x57: {  	_ =	shalt  }
0x58: {  	_ =	shalt  }
0x59: {  	_ =	shalt  }
0x5a: {  	_ =	shalt  }
0x5b: {  	_ =	shalt  }
0x5c: {  	_ =	shalt  }
0x5d: {  	_ =	shalt  }
0x5e: {  	_ =	shalt  }
0x5f: {  	_ =	shalt  }
0x60: {  	_ =	shalt  }
0x61: {  	_ =	shalt  }
0x62: {  	_ =	shalt  }
0x63: {  	_ =	shalt  }
0x64: {  	_ =	shalt  }
0x65: {  	_ =	shalt  }
0x66: {  	_ =	shalt  }
0x67: {  	_ =	shalt  }
0x68: {  	_ =	shalt  }
0x69: {  	_ =	shalt  }
0x6a: {  	_ =	shalt  }
0x6b: {  	_ =	shalt  }
0x6c: {  	_ =	shalt  }
0x6d: {  	_ =	shalt  }
0x6e: {  	_ =	shalt  }
0x6f: {  	_ =	shalt  }
0x70: {  	_ =	shalt  }
0x71: {  	_ =	shalt  }
0x72: {  	_ =	shalt  }
0x73: {  	_ =	shalt  }
0x74: {  	_ =	shalt  }
0x75: {  	_ =	shalt  }
0x76: {  	_ =	shalt  }
0x77: {  	_ =	shalt  }
0x78: {  	_ =	shalt  }
0x79: {  	_ =	shalt  }
0x7a: {  	_ =	shalt  }
0x7b: {  	_ =	shalt  }
0x7c: {  	_ =	shalt  }
0x7d: {  	_ =	shalt  }
0x7e: {  	_ =	shalt  }
0x7f: {  	_ =	shalt  }
0x80: {  	_ =	shalt  }
0x81: {  	_ =	shalt  }
0x82: {  	_ =	shalt  }
0x83: {  	_ =	shalt  }
0x84: {  	_ =	shalt  }
0x85: {  	_ =	shalt  }
0x86: {  	_ =	shalt  }
0x87: {  	_ =	shalt  }
.Lfunc_end0:
.L_simem_size_0:
called_computation.1_lowered:
.L_overlay_start_0:
0x88: {  	s2 =	sld [smem:$0x3FD9]  }
0x89: {  	s3 =	sld [smem:$0x3FFE];
	_ =	sdelay $0x1  }
0x8a: {  	s1 =	srdreg.scid  }
0x8b: {  	s0 =	sand.u32 $0x1, s1  }
0x8c: {  	s16 =	sshll.u32 s0, $0xA;
	s2 =	sadd.s32 s3, s2  }
0x8d: {  	s2 =	sadd.s32 s2, s16  }
0x8e: {  	[smem:$0x3FBE] =	sst s2  }
0x8f: {  	_ = 	snop  }
0x90: {  	(tm) =	ssettm $0x1  }
0x91: {  	s17 =	sld [smem:$0x3FFB];
	_ =	sdelay $0x3  }
0x92: {  	_ =	strace s17  }
0x93: {  	s2 =	sld [smem:$0x3FFC];
	_ =	sdelay $0x3  }
0x94: {  	_ =	strace s2  }
0x95: {  	s2 =	sld [smem:$0x3FFD];
	_ =	sdelay $0x3  }
0x96: {  	_ =	strace s2  }
0x97: {  	_ =	strace $0x8FFFFFFF  }
0x98: {  	s18 =	sld [smem:$0x3FDB];
	_ =	sdelay $0x1  }
0x99: {  	s19 =	simm.s32 $_scs_section_size  }
0x9a: {  	s4 =	simm.s32 $_size__tile_overlayer_lowered;
	s5 =	simm.s32 $_tile_overlayer_lowered  }
0x9b: {  	s22 =	simm.s32 $0x1BFF;
	s21 =	sshll.u32 s5, $0x1;
	s2 =	sadd.s32 s19, s18  }
0x9c: {  	s6 =	simm.s32 $0x0;
	s20 =	sshll.u32 s4, $0x1;
	s4 =	sadd.s32 s21, s2  }
0x9d: {  	[timem:s6], [sflag:s22] =	dma.local [hbm:s4], s20  }
0x9e: {  	_ =	swait.ge [sflag:s22], s20  }
0x9f: {  	s3 =	ssub.s32 $0x0, s20;
	[sflag:s22] =	ssyncset.done $0x0  }
0xa0: {  	[sflag:s22] =	ssyncadd.s32 s3;
	_ =	sdelay $0x1  }
0xa1: {  	s23 =	simm.s32 $0x1B8B  }
0xa2: {  	_ =	swait.ge [sflag:s23], $0x1  }
0xa3: {  	[sflag:s23] =	ssyncset.done $0x0  }
0xa4: {  	s25 =	simm.s32 $0x1B8E;
	s24 =	sld [smem:$0x3FFE];
	[sflag:s23] =	ssyncadd.s32 $0xFFFFFFFF  }
0xa5: {  	s26 =	simm.s32 $execute0_lowered;
	[smem:$0x3FD2] =	sst s25  }
0xa6: {  	s4 =	sshll.u32 s26, $0x1;
	_ =	strace $0x80000049;
	[dreg:$0x1] =	wrdreg $0xFFFFFFFF  }
0xa7: {  	s28 =	simm.s32 $_size_execute0_lowered;
	s2 =	sadd.s32 s2, s4;
	[dreg:$0x0] =	wrdreg $0x0  }
0xa8: {  	s4 =	sshll.u32 s28, $0x1;
	[dreg:$0x2] =	wrdreg s2  }
0xa9: {  	[dreg:$0x3] =	wrdreg s4  }
0xaa: {  	[dreg:$0x4] =	wrdreg $0xC0  }
0xab: {  	_ =	task [dreg:s6], $0x5FFFF  }
0xac: {  	[dreg:$0x1] =	wrdreg $0xFFFFFFFF  }
0xad: {  	[dreg:$0x0] =	wrdreg $0x60  }
0xae: {  	[dreg:$0x2] =	wrdreg s24  }
0xaf: {  	[dreg:$0x3] =	wrdreg $0x28F00  }
0xb0: {  	[dreg:$0x4] =	wrdreg $0x9  }
0xb1: {  	_ =	task.clear_ibuf [dreg:s6], $0x5FFFF;
	_ =	strace $0x90000049  }
0xb2: {  	s29 =	simm.s32 $0x9;
	_ =	strace $0x8000004B  }
0xb3: {  	_ =	swait.ge [sflag:s29], $0x1  }
0xb4: {  	[sflag:s29] =	ssyncadd.s32 $0xFFFFFFFF  }
0xb5: {  	_ =	strace $0x9000004B  }
0xb6: {  	_ =	sfence  }
0xb7: {  	s30 =	sld [smem:$0x0];
	_ =	sdelay $0x2  }
0xb8: {  	s31 =	sshll.u32 s1, $0xD;
	s1 =	sshrl.u32 s1, $0x2  }
0xb9: {  	s3 =	sand.u32 $0x4000, s31;
	s1 =	sadd.s32 s1, s30  }
0xba: {  	s0 =	sor.u32 s3, s0;
	s1 =	sshll.u32 s1, $0x11  }
0xbb: {  	s0 =	sor.u32 s1, s0  }
0xbc: {  	s0 =	sadd.s32 $0x8F2B, s0  }
0xbd: {  	[sflag:s0] =	ssyncadd.remote.s32 $0x1  }
0xbe: {  	_ =	sfence.sel $0xFFFF  }
0xbf: {  	[dreg:$0x0] =	wrdreg $0xFFFFFFFF;
	(pc) =	sbr.abs _section_cstart, $3  }
0xc0: {  	[dreg:$0x1] =	wrdreg $0xFFFFFFFF  }
0xc1: {  	_ =	task.clear_ibuf [dreg:s6], $0x2FFFF;
	_ =	strace $0x9FFFFFFF  }
0xc2: {  	(tm) =	ssettm $0x7FFFFFFF  }
0xc3: {  	_ =	shalt  }
tec
execute0_lowered:
.L_overlay_start_1:
0x0: {  	(tag) =	ssettag $0x1  }
0x1: {  	s9 =	rddreg [dreg:$0x0]  }
0x2: {  	s2 =	rddreg [dreg:$0x1]  }
0x3: {  	s0 =	rddreg [dreg:$0x2]  }
0x4: {  	s3 =	simm.s32 $0x0;
	s4 =	srdreg.scid;
	s1 =	stileid.u32  }
0x5: {  	s17 =	simm.s32 $0xF0;
	s18 =	simm.s32 $0x1;
	s19 =	simm.s32 $0x14F0  }
0x6: {  	s20 =	simm.s32 $0xA0;
	s21 =	simm.s32 $0x19F0;
	[smem:$0x7FF] =	sst s3  }
0x7: {  	s10 =	sand.u32 $0x1, s4;
	s11 =	smul.u32 $0x12600, s1;
	s4 =	sadd.s32 $0x68C00, s9  }
0x8: {  	s5 =	sadd.s32 $0xCAC00, s9;
	s6 =	sadd.s32 $0x5400, s9;
	s7 =	sadd.s32 $0x37E00, s9  }
0x9: {  	v0 =	vimm.s32 $0x3020100;
	s8 =	sadd.s32 $0x1DC00, s9;
	s30 =	sshll.u32 s1, $0x6;
	s12 =	smul.u32 $0x24C000, s10  }
0xa: {  	vm0 =	vcmask $0x1300;
	_ =	strace $0x8000004A;
	s13 =	ssub.s32 $0x2, s10;
	s15 =	smul.u32 $0x61A8, s10  }
0xb: {  	v4 =	vimm.f32 $0.0e+00;
	v2 =	vlaneseq.u32;
	v3 =	vimm.s32 $0x7060504;
	s10 =	smul.u32 $0xC350, s1;
	s14 =	sshrl.u32 s13, $0x1;
	s31 =	sadd.s32 s11, s2  }
0xc: {  	vm15 =	vcmask $0xF00;
	v1 =	vunpack.c.0.s8.s32 v0;
	v2 =	vshrl.u32 v2, $0x3;
	s12 =	sadd.s32 s11, s12;
	s13 =	ssub.s32 s13, s14;
	s16 =	sadd.s32 $0x61A8, s15  }
0xd: {  	v6 =	vunpack.c.0.s8.s32 v3;
	v4 =	vsel vm15, $0x3F800000, v4;
	v0 =	vmov s15;
	s14 =	sshrl.u32 s31, $0x3;
	s15 =	simm.s32 $0x2;
	s12 =	sshrl.u32 s12, $0x3  }
0xe: {  	v5 =	vor.u32 $0x2, v2;
	v7 =	vor.u32 $0x4, v2;
	v3 =	vmov s16;
	s16 =	simm.s32 $0x50;
	s12 =	sadd.s32 s12, s9;
	s9 =	sor.u32 $0x1C02, s30  }
0xf: {  	v8 =	vor.u32 $0x6, v2;
	v1 =	vnsel vm0, $0x0, v1;
	v6 =	vnsel vm15, $0x0, v6;
	s13 =	smax.u32 s13, $0x1;
	s11 =	sadd.s32 $0x12CC00, s12;
	s12 =	sadd.s32 $0x151800, s12  }
.LBB2_1:
0x10: {  	[spmem:s14], [sflag:s9] =	dma.local [hbm:s8], $0x24C0  }
0x11: {  	_ =	swait.ge [sflag:s15], $0x24C0  }
0x12: {  	[sflag:s15] =	ssyncset.done $0x0  }
0x13: {  	[sflag:s15] =	ssyncadd.s32 $0xFFFFDB40  }
0x14: {  	s22 =	simm.s32 $0x0;
	[bflag:$0x0] =	sbarrier.arrive $0xFFFF  }
.LBB2_2:
0x15: {  	s23 =	smul.u32 $0x50, s22;
	_ =	sdelay $0x1  }
0x16: {  	s23 =	sadd.s32 s10, s23  }
0x17: {  	s23 =	sshrl.u32 s23, $0x3  }
0x18: {  	s24 =	simm.s32 $0x0;
	s23 =	sadd.s32 s7, s23  }
0x19: {  	[tilespmem:s24], [sflag:$0x2] =	stream.linear.gather [hbm4b:s23+s24], $0x50, $0x38;
	[tilespmem:$0x14EF0] =	vst v63  }
0x1a: {  	_ =	swait.ge [sflag:s15], $0x50  }
0x1b: {  	[sflag:s15] =	ssyncset.done $0x0  }
0x1c: {  	s23 =	sadd.s32 $0x186A0, s23;
	[sflag:s15] =	ssyncadd.s32 $0xFFFFFFB0  }
0x1d: {  	[tilespmem:s16], [sflag:$0x2] =	stream.linear.gather [hbm4b:s23+s24], $0x50, $0x38;
	[tilespmem:$0x14EF0] =	vst v63  }
0x1e: {  	_ =	swait.ge [sflag:s15], $0x50  }
0x1f: {  	[sflag:s15] =	ssyncset.done $0x0  }
0x20: {  	[sflag:s15] =	ssyncadd.s32 $0xFFFFFFB0  }
0x21: {  	[tilespmem:s17], [sflag:$0x1] =	stream.indirect.gather [hbm4b:s4+s16], $0x40, s24, s16, $0xb8;
	[tilespmem:$0x14EF0] =	vst v63  }
0x22: {  	_ =	swait.ge [sflag:s18], $0x1400  }
0x23: {  	[sflag:s18] =	ssyncset.done $0x0  }
0x24: {  	[sflag:s18] =	ssyncadd.s32 $0xFFFFEC00  }
0x25: {  	[tilespmem:s19], [sflag:$0x1] =	stream.indirect.gather [hbm4b:s6+s16], $0x10, s16, s16, $0xb8;
	[tilespmem:$0x14EF0] =	vst v63  }
0x26: {  	_ =	swait.ge [sflag:s18], $0x500  }
0x27: {  	[sflag:s18] =	ssyncset.done $0x0  }
0x28: {  	[sflag:s18] =	ssyncadd.s32 $0xFFFFFB00  }
0x29: {  	v9 =	vld [tilespmem:$0x50]  }
0x2a: {  	v10 =	vld [tilespmem:$0x60]  }
0x2b: {  	v11 =	vld [tilespmem:$0x70];
	_ =	sdelay $0x1  }
0x2c: {  	v12 =	vld [tilespmem:$0x80]  }
0x2d: {  	v13 =	vld [tilespmem:$0x90]  }
0x2e: {  	vm0 =	vge.s32 v9, v0;
	vm1 =	vlt.s32 v9, v3;
	v9 =	vsub.s32 v9, v0  }
0x2f: {  	vm7 =	vge.s32 v10, v0;
	vm8 =	vlt.s32 v10, v3;
	vm2 =	vge.s32 v11, v0  }
0x30: {  	vm3 =	vlt.s32 v11, v3;
	v10 =	vsub.s32 v10, v0;
	v11 =	vsub.s32 v11, v0  }
0x31: {  	vm10 =	vge.s32 v12, v0;
	vm11 =	vlt.s32 v12, v3;
	vm0 =	vmand vm0, vm1  }
0x32: {  	vm13 =	vge.s32 v13, v0;
	v9 =	vnsel vm0, $0x61F8, v9;
	vm0 =	vmand vm7, vm8  }
0x33: {  	vm14 =	vlt.s32 v13, v3;
	vm9 =	vmand vm2, vm3;
	v10 =	vnsel vm0, $0x61F8, v10;
	[tilespmem:$0xA0] =	vst v9  }
0x34: {  	vm12 =	vmand vm10, vm11;
	v9 =	vnsel vm9, $0x61F8, v11;
	[tilespmem:$0xB0] =	vst v10;
	v10 =	vsub.s32 v12, v0  }
0x35: {  	vm15 =	vmand vm13, vm14;
	[tilespmem:$0xC0] =	vst v9;
	v9 =	vsub.s32 v13, v0;
	v10 =	vnsel vm12, $0x61F8, v10  }
0x36: {  	v9 =	vnsel vm15, $0x61F8, v9;
	[tilespmem:$0xD0] =	vst v10  }
0x37: {  	s30 =	simm.s32 $0x110;
	[tilespmem:$0xE0] =	vst v9  }
0x38: {  	s31 =	simm.s32 $0x0;
	v9 =	vld [tilespmem:s30+$0xFFFFFFE0]  }
0x39: {  	v10 =	vld [tilespmem:s31+$0x14F0];
	_ =	sdelay $0x4  }
0x3a: {  	v9 =	vadd.f32 v10, v9;
	_ =	sdelay $0x1  }
0x3b: {  	v10 =	vmul.f32 $2.000000030e-01, v9;
	_ =	sdelay $0x1  }
0x3c: {  	v9 =	vmax.f32 v9, v10  }
0x3d: {  	v9 =	vmul.f32 $1.442695020e+00, v9;
	_ =	sdelay $0x1  }
0x3e: {  	(erf) = vpow2.f32 v9;
	_ =	sdelay $0x8  }
0x3f: {  	v9 =	vpop (erf)  }
0x40: {  	v10 =	vperm.xlane v9, v1;
	_ =	sdelay $0x1  }
0x41: {  	v10 =	vmul.f32 v4, v10  }
0x42: {  	s23 =	simm.s32 $0x1A10  }
0x43: {  	[tilespmem:s23+$0xFFFFFFE0] =	vst v10  }
0x44: {  	v10 =	vld [tilespmem:s30+$0xFFFFFFF0];
	_ =	sdelay $0x2  }
0x45: {  	v11 =	vperm.xlane v9, v2;
	_ =	sdelay $0x1  }
0x46: {  	v10 =	vmul.f32 v10, v11;
	_ =	sdelay $0x1  }
0x47: {  	[tilespmem:s23+$0xFFFFFFF0] =	vst v10  }
0x48: {  	v10 =	vld [tilespmem:s30+$0x0];
	_ =	sdelay $0x2  }
0x49: {  	v9 =	vperm.xlane v9, v5;
	_ =	sdelay $0x1  }
0x4a: {  	v9 =	vmul.f32 v10, v9;
	_ =	sdelay $0x1  }
0x4b: {  	s24 =	simm.s32 $0x150;
	[tilespmem:s23+$0x0] =	vst v9  }
0x4c: {  	s26 =	simm.s32 $0x10;
	s25 =	simm.s32 $0x80;
	v9 =	vld [tilespmem:s24+$0xFFFFFFE0]  }
.LBB2_3:
0x4d: {  	p0 =	sne.s32 s25, $0x13C0;
	v10 =	vld [tilespmem:s26+$0x14F0];
	_ =	sdelay $0x4  }
0x4e: {  	v9 =	vadd.f32 v10, v9;
	_ =	sdelay $0x1  }
0x4f: {  	v10 =	vmul.f32 $2.000000030e-01, v9;
	_ =	sdelay $0x1  }
0x50: {  	v9 =	vmax.f32 v9, v10  }
0x51: {  	v9 =	vmul.f32 $1.442695020e+00, v9;
	_ =	sdelay $0x1  }
0x52: {  	(erf) = vpow2.f32 v9;
	_ =	sdelay $0x8  }
0x53: {  	v9 =	vpop (erf)  }
0x54: {  	v10 =	vperm.xlane v9, v1;
	v11 =	vperm.xlane v9, v5;
	_ =	sdelay $0x1  }
0x55: {  	v10 =	vmul.f32 v4, v10  }
0x56: {  	s23 =	sadd.s32 $0x30, s23  }
0x57: {  	[tilespmem:s23+$0xFFFFFFE0] =	vst v10  }
0x58: {  	v10 =	vld [tilespmem:s24+$0xFFFFFFF0];
	_ =	sdelay $0x2  }
0x59: {  	v9 =	vperm.xlane v9, v2;
	_ =	sdelay $0x1  }
0x5a: {  	v9 =	vmul.f32 v10, v9;
	_ =	sdelay $0x1  }
0x5b: {  	[tilespmem:s23+$0xFFFFFFF0] =	vst v9  }
0x5c: {  	v9 =	vld [tilespmem:s24+$0x0];
	_ =	sdelay $0x3  }
.Ltmp0:
0x5d: {  	(pc) =	sbr.rel @p0 .LBB2_3-.Ltmp0, $3  }
0x5e: {  	v9 =	vmul.f32 v9, v11;
	_ =	sdelay $0x1  }
0x5f: {  	s24 =	sadd.s32 $0x40, s24;
	[tilespmem:s23+$0x0] =	vst v9  }
0x60: {  	s26 =	sshra.s32 s25, $0x2;
	s25 =	sadd.s32 $0x40, s25;
	v9 =	vld [tilespmem:s24+$0xFFFFFFE0]  }
0x61: {  	v10 =	vld [tilespmem:s26+$0x14F0];
	_ =	sdelay $0x4  }
0x62: {  	v9 =	vadd.f32 v10, v9;
	_ =	sdelay $0x1  }
0x63: {  	v10 =	vmul.f32 $2.000000030e-01, v9;
	_ =	sdelay $0x1  }
0x64: {  	v9 =	vmax.f32 v9, v10  }
0x65: {  	v9 =	vmul.f32 $1.442695020e+00, v9;
	_ =	sdelay $0x1  }
0x66: {  	(erf) = vpow2.f32 v9;
	_ =	sdelay $0x8  }
0x67: {  	v9 =	vpop (erf)  }
0x68: {  	v10 =	vperm.xlane v9, v1;
	_ =	sdelay $0x1  }
0x69: {  	v10 =	vmul.f32 v4, v10  }
0x6a: {  	s23 =	sadd.s32 $0x30, s23  }
0x6b: {  	[tilespmem:s23+$0xFFFFFFE0] =	vst v10  }
0x6c: {  	v10 =	vld [tilespmem:s24+$0xFFFFFFF0];
	_ =	sdelay $0x2  }
0x6d: {  	v11 =	vperm.xlane v9, v2;
	_ =	sdelay $0x1  }
0x6e: {  	v10 =	vmul.f32 v10, v11;
	_ =	sdelay $0x1  }
0x6f: {  	[tilespmem:s23+$0xFFFFFFF0] =	vst v10  }
0x70: {  	v10 =	vld [tilespmem:s24+$0x0];
	_ =	sdelay $0x2  }
0x71: {  	v9 =	vperm.xlane v9, v5;
	_ =	sdelay $0x1  }
0x72: {  	s22 =	sadd.s32 $0x1, s22;
	v9 =	vmul.f32 v10, v9  }
0x73: {  	p0 =	sne.s32 s22, $0x271  }
.Ltmp1:
0x74: {  	[tilespmem:s23+$0x0] =	vst v9;
	(pc) =	sbr.rel @p0 .LBB2_2-.Ltmp1, $4  }
0x75: {  	[spmem:s2] =	stream.indirect.scatter.add.f32 [tilespmem:s21], [sflag:$0x2], $0x30, s20, s16, $0xb8;
	[tilespmem:$0x14EF0] =	vst v63  }
0x76: {  	_ =	swait.ge [sflag:s15], $0xF00  }
0x77: {  	[sflag:s15] =	ssyncset.done $0x0  }
0x78: {  	[sflag:s15] =	ssyncadd.s32 $0xFFFFF100  }
0x79: {  	[bflag:$0x0] =	sbarrier.arrive $0xFFFF  }
0x7a: {  	[hbm:s11], [sflag:s9] =	dma.local [spmem:s14], $0x24C0  }
0x7b: {  	_ =	swait.ge [sflag:s15], $0x24C0  }
0x7c: {  	[sflag:s15] =	ssyncset.done $0x0  }
0x7d: {  	[sflag:s15] =	ssyncadd.s32 $0xFFFFDB40  }
0x7e: {  	[spmem:s14], [sflag:s9] =	dma.local [hbm:s8], $0x24C0  }
0x7f: {  	_ =	swait.ge [sflag:s15], $0x24C0  }
0x80: {  	[sflag:s15] =	ssyncset.done $0x0  }
0x81: {  	[sflag:s15] =	ssyncadd.s32 $0xFFFFDB40  }
0x82: {  	s22 =	simm.s32 $0x0;
	s23 =	simm.s32 $0x0;
	[bflag:$0x0] =	sbarrier.arrive $0xFFFF  }
.LBB2_6:
0x83: {  	s24 =	smul.u32 $0x50, s23;
	_ =	sdelay $0x1  }
0x84: {  	s24 =	sadd.s32 s10, s24  }
0x85: {  	s24 =	sshrl.u32 s24, $0x3  }
0x86: {  	s24 =	sadd.s32 s7, s24  }
0x87: {  	[tilespmem:s22], [sflag:$0x2] =	stream.linear.gather [hbm4b:s24+s22], $0x50, $0x38;
	[tilespmem:$0x14EF0] =	vst v63  }
0x88: {  	_ =	swait.ge [sflag:s15], $0x50  }
0x89: {  	[sflag:s15] =	ssyncset.done $0x0  }
0x8a: {  	s24 =	sadd.s32 $0x186A0, s24;
	[sflag:s15] =	ssyncadd.s32 $0xFFFFFFB0  }
0x8b: {  	[tilespmem:s16], [sflag:$0x2] =	stream.linear.gather [hbm4b:s24+s22], $0x50, $0x38;
	[tilespmem:$0x14EF0] =	vst v63  }
0x8c: {  	_ =	swait.ge [sflag:s15], $0x50  }
0x8d: {  	[sflag:s15] =	ssyncset.done $0x0  }
0x8e: {  	[sflag:s15] =	ssyncadd.s32 $0xFFFFFFB0  }
0x8f: {  	[tilespmem:s17], [sflag:$0x1] =	stream.indirect.gather [hbm4b:s5+s16], $0x40, s22, s16, $0xb8;
	[tilespmem:$0x14EF0] =	vst v63  }
0x90: {  	_ =	swait.ge [sflag:s18], $0x1400  }
0x91: {  	[sflag:s18] =	ssyncset.done $0x0  }
0x92: {  	[sflag:s18] =	ssyncadd.s32 $0xFFFFEC00  }
0x93: {  	[tilespmem:s19], [sflag:$0x1] =	stream.indirect.gather [hbm4b:s6+s16], $0x10, s16, s16, $0xb8;
	[tilespmem:$0x14EF0] =	vst v63  }
0x94: {  	_ =	swait.ge [sflag:s18], $0x500  }
0x95: {  	[sflag:s18] =	ssyncset.done $0x0  }
0x96: {  	[sflag:s18] =	ssyncadd.s32 $0xFFFFFB00  }
0x97: {  	v9 =	vld [tilespmem:$0x50]  }
0x98: {  	v10 =	vld [tilespmem:$0x60]  }
0x99: {  	v11 =	vld [tilespmem:$0x70];
	_ =	sdelay $0x1  }
0x9a: {  	v12 =	vld [tilespmem:$0x80]  }
0x9b: {  	v13 =	vld [tilespmem:$0x90]  }
0x9c: {  	vm0 =	vge.s32 v9, v0;
	vm1 =	vlt.s32 v9, v3;
	v9 =	vsub.s32 v9, v0  }
0x9d: {  	vm7 =	vge.s32 v10, v0;
	vm8 =	vlt.s32 v10, v3;
	vm2 =	vge.s32 v11, v0  }
0x9e: {  	vm3 =	vlt.s32 v11, v3;
	v10 =	vsub.s32 v10, v0;
	v11 =	vsub.s32 v11, v0  }
0x9f: {  	vm10 =	vge.s32 v12, v0;
	vm11 =	vlt.s32 v12, v3;
	vm0 =	vmand vm0, vm1  }
0xa0: {  	vm13 =	vge.s32 v13, v0;
	v9 =	vnsel vm0, $0x61F8, v9;
	vm0 =	vmand vm7, vm8  }
0xa1: {  	vm14 =	vlt.s32 v13, v3;
	vm9 =	vmand vm2, vm3;
	v10 =	vnsel vm0, $0x61F8, v10;
	[tilespmem:$0xA0] =	vst v9  }
0xa2: {  	vm12 =	vmand vm10, vm11;
	v9 =	vnsel vm9, $0x61F8, v11;
	[tilespmem:$0xB0] =	vst v10;
	v10 =	vsub.s32 v12, v0  }
0xa3: {  	vm15 =	vmand vm13, vm14;
	[tilespmem:$0xC0] =	vst v9;
	v9 =	vsub.s32 v13, v0;
	v10 =	vnsel vm12, $0x61F8, v10  }
0xa4: {  	v9 =	vnsel vm15, $0x61F8, v9;
	[tilespmem:$0xD0] =	vst v10  }
0xa5: {  	s25 =	simm.s32 $0x110;
	[tilespmem:$0xE0] =	vst v9  }
0xa6: {  	s31 =	simm.s32 $0x0;
	v9 =	vld [tilespmem:s25+$0xFFFFFFE0]  }
0xa7: {  	v10 =	vld [tilespmem:s31+$0x14F0];
	_ =	sdelay $0x4  }
0xa8: {  	v9 =	vadd.f32 v10, v9;
	_ =	sdelay $0x1  }
0xa9: {  	v10 =	vmul.f32 $2.000000030e-01, v9;
	_ =	sdelay $0x1  }
0xaa: {  	v9 =	vmax.f32 v9, v10  }
0xab: {  	v9 =	vmul.f32 $1.442695020e+00, v9;
	_ =	sdelay $0x1  }
0xac: {  	(erf) = vpow2.f32 v9;
	_ =	sdelay $0x8  }
0xad: {  	v9 =	vpop (erf)  }
0xae: {  	v10 =	vperm.xlane v9, v6;
	_ =	sdelay $0x1  }
0xaf: {  	v10 =	vmul.f32 v4, v10  }
0xb0: {  	s24 =	simm.s32 $0x1A10  }
0xb1: {  	[tilespmem:s24+$0xFFFFFFE0] =	vst v10  }
0xb2: {  	v10 =	vld [tilespmem:s25+$0xFFFFFFF0];
	_ =	sdelay $0x2  }
0xb3: {  	v11 =	vperm.xlane v9, v7;
	_ =	sdelay $0x1  }
0xb4: {  	v10 =	vmul.f32 v10, v11;
	_ =	sdelay $0x1  }
0xb5: {  	[tilespmem:s24+$0xFFFFFFF0] =	vst v10  }
0xb6: {  	v10 =	vld [tilespmem:s25+$0x0];
	_ =	sdelay $0x2  }
0xb7: {  	v9 =	vperm.xlane v9, v8;
	_ =	sdelay $0x1  }
0xb8: {  	v9 =	vmul.f32 v10, v9;
	_ =	sdelay $0x1  }
0xb9: {  	s25 =	simm.s32 $0x150;
	[tilespmem:s24+$0x0] =	vst v9  }
0xba: {  	s28 =	simm.s32 $0x10;
	s26 =	simm.s32 $0x80;
	v9 =	vld [tilespmem:s25+$0xFFFFFFE0]  }
.LBB2_7:
0xbb: {  	p0 =	sne.s32 s26, $0x13C0;
	v10 =	vld [tilespmem:s28+$0x14F0];
	_ =	sdelay $0x4  }
0xbc: {  	v9 =	vadd.f32 v10, v9;
	_ =	sdelay $0x1  }
0xbd: {  	v10 =	vmul.f32 $2.000000030e-01, v9;
	_ =	sdelay $0x1  }
0xbe: {  	v9 =	vmax.f32 v9, v10  }
0xbf: {  	v9 =	vmul.f32 $1.442695020e+00, v9;
	_ =	sdelay $0x1  }
0xc0: {  	(erf) = vpow2.f32 v9;
	_ =	sdelay $0x8  }
0xc1: {  	v9 =	vpop (erf)  }
0xc2: {  	v10 =	vperm.xlane v9, v6;
	v11 =	vperm.xlane v9, v8;
	_ =	sdelay $0x1  }
0xc3: {  	v10 =	vmul.f32 v4, v10  }
0xc4: {  	s24 =	sadd.s32 $0x30, s24  }
0xc5: {  	[tilespmem:s24+$0xFFFFFFE0] =	vst v10  }
0xc6: {  	v10 =	vld [tilespmem:s25+$0xFFFFFFF0];
	_ =	sdelay $0x2  }
0xc7: {  	v9 =	vperm.xlane v9, v7;
	_ =	sdelay $0x1  }
0xc8: {  	v9 =	vmul.f32 v10, v9;
	_ =	sdelay $0x1  }
0xc9: {  	[tilespmem:s24+$0xFFFFFFF0] =	vst v9  }
0xca: {  	v9 =	vld [tilespmem:s25+$0x0];
	_ =	sdelay $0x3  }
.Ltmp2:
0xcb: {  	(pc) =	sbr.rel @p0 .LBB2_7-.Ltmp2, $3  }
0xcc: {  	v9 =	vmul.f32 v9, v11;
	_ =	sdelay $0x1  }
0xcd: {  	s25 =	sadd.s32 $0x40, s25;
	[tilespmem:s24+$0x0] =	vst v9  }
0xce: {  	s28 =	sshra.s32 s26, $0x2;
	s26 =	sadd.s32 $0x40, s26;
	v9 =	vld [tilespmem:s25+$0xFFFFFFE0]  }
0xcf: {  	v10 =	vld [tilespmem:s28+$0x14F0];
	_ =	sdelay $0x4  }
0xd0: {  	v9 =	vadd.f32 v10, v9;
	_ =	sdelay $0x1  }
0xd1: {  	v10 =	vmul.f32 $2.000000030e-01, v9;
	_ =	sdelay $0x1  }
0xd2: {  	v9 =	vmax.f32 v9, v10  }
0xd3: {  	v9 =	vmul.f32 $1.442695020e+00, v9;
	_ =	sdelay $0x1  }
0xd4: {  	(erf) = vpow2.f32 v9;
	_ =	sdelay $0x8  }
0xd5: {  	v9 =	vpop (erf)  }
0xd6: {  	v10 =	vperm.xlane v9, v6;
	_ =	sdelay $0x1  }
0xd7: {  	v10 =	vmul.f32 v4, v10  }
0xd8: {  	s24 =	sadd.s32 $0x30, s24  }
0xd9: {  	[tilespmem:s24+$0xFFFFFFE0] =	vst v10  }
0xda: {  	v10 =	vld [tilespmem:s25+$0xFFFFFFF0];
	_ =	sdelay $0x2  }
0xdb: {  	v11 =	vperm.xlane v9, v7;
	_ =	sdelay $0x1  }
0xdc: {  	v10 =	vmul.f32 v10, v11;
	_ =	sdelay $0x1  }
0xdd: {  	[tilespmem:s24+$0xFFFFFFF0] =	vst v10  }
0xde: {  	v10 =	vld [tilespmem:s25+$0x0];
	_ =	sdelay $0x2  }
0xdf: {  	v9 =	vperm.xlane v9, v8;
	_ =	sdelay $0x1  }
0xe0: {  	s23 =	sadd.s32 $0x1, s23;
	v9 =	vmul.f32 v10, v9  }
0xe1: {  	p0 =	sne.s32 s23, $0x271  }
.Ltmp3:
0xe2: {  	[tilespmem:s24+$0x0] =	vst v9;
	(pc) =	sbr.rel @p0 .LBB2_6-.Ltmp3, $4  }
0xe3: {  	[spmem:s2] =	stream.indirect.scatter.add.f32 [tilespmem:s21], [sflag:$0x2], $0x30, s20, s16, $0xb8;
	[tilespmem:$0x14EF0] =	vst v63  }
0xe4: {  	_ =	swait.ge [sflag:s15], $0xF00  }
0xe5: {  	[sflag:s15] =	ssyncset.done $0x0  }
0xe6: {  	[sflag:s15] =	ssyncadd.s32 $0xFFFFF100  }
0xe7: {  	s3 =	sadd.s32 $0x1, s3  }
0xe8: {  	p0 =	sne.s32 s3, s13  }
.Ltmp4:
0xe9: {  	[bflag:$0x0] =	sbarrier.arrive $0xFFFF;
	(pc) =	sbr.rel @p0 .LBB2_1-.Ltmp4, $4  }
0xea: {  	[hbm:s12], [sflag:s9] =	dma.local [spmem:s14], $0x24C0  }
0xeb: {  	_ =	swait.ge [sflag:s15], $0x24C0  }
0xec: {  	[sflag:s15] =	ssyncset.done $0x0  }
0xed: {  	[sflag:s15] =	ssyncadd.s32 $0xFFFFDB40  }
0xee: {  	_ =	sfence.sel $0x180000  }
0xef: {  	[bflag:$0x0] =	sbarrier.arrive $0xFFFF  }
0xf0: {  	p0 =	sne.s32 s1, $0x0;
	_ =	strace $0x9000004A  }
0xf1: {  	s0 =	sadd.s32 @!p0 $0x100000, s0;
	[bflag:$0x2] =	sbarrier.arrive $0xFFFF  }
0xf2: {  	[sflag:s0] =	ssyncadd.tile.s32 @!p0 $0x1;
	_ =	shalt  }
.Lfunc_end2:
_tile_overlayer_lowered:
.L_overlay_start_2:
0xf3: {  	(tag) =	ssettag $0x2  }
0xf4: {  	s0 =	rddreg [dreg:$0x0];
	s2 =	stileid.u32  }
0xf5: {  	s1 =	rddreg [dreg:$0x1];
	p0 =	sne.s32 s2, $0x0  }
0xf6: {  	s3 =	rddreg [dreg:$0x2];
	[bflag:$0x3] =	sbarrier.arrive $0xFFFF;
	s2 =	simm.s32 @!p0 $0x1C02  }
0xf7: {  	[timem:s3], [sflag:s2] =	dma.local @!p0 [hbm:s0], s1  }
0xf8: {  	s0 =	simm.s32 @!p0 $0x2  }
0xf9: {  	_ =	swait.ge @!p0 [sflag:s0], s1  }
0xfa: {  	s1 =	ssub.s32 @!p0 $0x0, s1;
	[sflag:s0] =	ssyncset.done @!p0 $0x0  }
0xfb: {  	[sflag:s0] =	ssyncadd.s32 @!p0 s1  }
0xfc: {  	[bflag:$0x3] =	sbarrier.arrive $0xFFFF  }
0xfd: {  	_ =	shalt  }

</sc_bundles>
